<compile_context>
chip_gen: v7x
topology: tpu7x:2x2x1
jax: 0.10.2.dev20260603
libtpu: 0.0.44.dev20260713+nightly
codegen_flags: <defaults>
</compile_context>

<pallas_src>
import functools

import jax
import jax.numpy as jnp
from jax import lax
from jax.experimental import pallas as pl
from jax.experimental.pallas import tpu as pltpu
from jax.experimental.pallas import tpu_sc as plsc

MAX_ROWS = 8192
D = 1024

NC = 2
NS = 16
NW = NC * NS
B_PER_W = MAX_ROWS // NW
CHUNK_S = 32
N_S = 4
CHUNK_T = 32
N_T = 4
S_ROWS = N_S * CHUNK_S
assert S_ROWS + N_T * CHUNK_T == B_PER_W

_mesh = plsc.VectorSubcoreMesh(core_axis_name="c", subcore_axis_name="s")


@functools.partial(
    pl.kernel,
    mesh=_mesh,
    out_type=jax.ShapeDtypeStruct((MAX_ROWS, D), jnp.float32),
    scratch_types=[
        pltpu.VMEM_SHARED((NS, 2, CHUNK_S, D), jnp.float32),
        pltpu.VMEM((2, CHUNK_T, D), jnp.float32),
        pltpu.SemaphoreType.DMA,
        pltpu.SemaphoreType.DMA,
        pltpu.SemaphoreType.DMA,
        pltpu.SemaphoreType.DMA,
    ],
)
def _embed_rows(table_hbm, sl_hbm, out_hbm, sh, tb,
                sr_sem, sw_sem, tr_sem, tw_sem):
    sid = lax.axis_index("s")
    wid = sid * NC + lax.axis_index("c")
    base = wid * B_PER_W

    def _s_read(k):
        return pltpu.async_copy(
            table_hbm.at[pl.ds(base + k * CHUNK_S, CHUNK_S)],
            sh.at[sid, k % 2], sr_sem,
        )

    def _t_read(k):
        return pltpu.async_copy(
            table_hbm.at[pl.ds(base + S_ROWS + k * CHUNK_T, CHUNK_T)],
            tb.at[k % 2], tr_sem,
        )

    gs = _s_read(0)
    gt = _t_read(0)
    for k in range(N_S):
        gs.wait()
        ws = pltpu.async_copy(
            sh.at[sid, k % 2],
            out_hbm.at[pl.ds(base + k * CHUNK_S, CHUNK_S)], sw_sem,
        )
        if k + 1 < N_S:
            gs = _s_read(k + 1)
        gt.wait()
        wt = pltpu.async_copy(
            tb.at[k % 2],
            out_hbm.at[pl.ds(base + S_ROWS + k * CHUNK_T, CHUNK_T)],
            tw_sem,
        )
        if k + 1 < N_T:
            gt = _t_read(k + 1)
        ws.wait()
        wt.wait()

    pltpu.sync_copy(sl_hbm, tb.at[0, 0, pl.ds(0, 16)])
    sl = jnp.int32(tb[0, 0, pl.ds(0, 16)][0])
    last = jnp.maximum(sl - 1, 0)
    hi = base + B_PER_W
    lo = jnp.maximum(base, sl)
    start0 = jnp.minimum(lo - (lo % 16), hi - 16)
    n_blocks = jnp.where(lo < hi, (hi - start0) // 16, 0)

    def _fix(b, carry):
        start = pl.multiple_of(start0 + b * 16, 16)
        idx = jnp.minimum(start + lax.iota(jnp.int32, 16), last)
        stage = tb.at[0, pl.ds(0, 16)]
        pltpu.async_copy(table_hbm.at[idx], stage, sr_sem).wait()
        pltpu.sync_copy(stage, out_hbm.at[pl.ds(start, 16)])
        return carry

    lax.fori_loop(0, n_blocks, _fix, 0)


def kernel(seq_len, embedding_weight):
    sl_vec = jnp.full((16,), seq_len, dtype=jnp.float32)
    out = _embed_rows(embedding_weight, sl_vec)
    return out[None, :, :]

# --- scband reference (transcript-rebuilt; emitter-appended) ---
"""Pipeline reference for scband-positional-embedding-42923903156253 (READ-ONLY COPY).

The authoritative reference and input builder live on the scoring server;
editing this copy changes nothing except your own understanding.
"""

import jax, jax.numpy as jnp
import numpy as np

MAX_SEQ_LEN = 8192
D_MODEL = 1024

def setup_inputs(seed: int = 0) -> dict:
    key = jax.random.key(seed)
    table = jax.random.normal(key, (MAX_SEQ_LEN, D_MODEL), dtype=jnp.float32) * 0.02
    return {"seq_len": 8192, "embedding_weight": table}

def reference(seq_len, embedding_weight):
    # positions = arange(seq_len); gather rows from learned table; add batch dim
    n = embedding_weight.shape[0]
    positions = jnp.arange(0, n, dtype=jnp.int32)
    positions = jnp.minimum(positions, jnp.asarray(seq_len, dtype=jnp.int32) - 1)
    pos_embeddings = jnp.take(embedding_weight, positions, axis=0)
    return pos_embeddings[None, :, :]

if __name__ == "__main__":
    import jax
    _d = setup_inputs()
    print(jax.jit(kernel)(*tuple(_d.values())))

</pallas_src>

<mosaic_0001>
#map = affine_map<(d0, d1) -> (0, 0)>
#map1 = affine_map<(d0, d1) -> (0)>
module attributes {stable_mosaic.version = 14 : i64} {
  func.func @_embed_rows(%arg0: i32, %arg1: i32, %arg2: memref<8192x1024xf32, #tpu.memory_space<hbm>>, %arg3: memref<16xf32, #tpu.memory_space<hbm>>, %arg4: memref<8192x1024xf32, #tpu.memory_space<hbm>>, %arg5: memref<16x2x32x1024xf32, #tpu.memory_space<vmem_shared>>, %arg6: memref<2x32x1024xf32, #tpu.memory_space<vmem>>, %arg7: memref<!tpu.dma_semaphore, #tpu.memory_space<semaphore_mem>>, %arg8: memref<!tpu.dma_semaphore, #tpu.memory_space<semaphore_mem>>, %arg9: memref<!tpu.dma_semaphore, #tpu.memory_space<semaphore_mem>>, %arg10: memref<!tpu.dma_semaphore, #tpu.memory_space<semaphore_mem>>) attributes {dimension_semantics = [#tpu.dimension_semantics<core_parallel>, #tpu.dimension_semantics<subcore_parallel>], iteration_bounds = array<i64: 2, 16>, scalar_prefetch = 0 : i64, scratch_operands = 6 : i64, tpu.core_type = #tpu.core_type<sc_vector_subcore>, window_params = [{transform_indices = #map}, {transform_indices = #map1}, {transform_indices = #map}]} {
    %mul3A = arith.constant 2 : i32
    %mul3A_0 = arith.muli %arg1, %mul3A : i32
    %add3A = arith.addi %mul3A_0, %arg0 : i32
    %mul3A_1 = arith.constant 256 : i32
    %mul3A_2 = arith.muli %add3A, %mul3A_1 : i32
    %add3A_3 = arith.constant 0 : i32
    %add3A_4 = arith.addi %mul3A_2, %add3A_3 : i32
    %dma_start3A = arith.constant 0 : i32
    %dma_start3A_5 = arith.constant 0 : i32
    %dma_start3A_6 = arith.constant 0 : i32
    %dma_start3A_7 = tpu.memref_slice %arg5[%arg1, %dma_start3A, %dma_start3A_5, %dma_start3A_6] : memref<16x2x32x1024xf32, #tpu.memory_space<vmem_shared>> -> memref<1x1x32x1024xf32, #tpu.memory_space<vmem_shared>>
    %dma_start3A_8 = tpu.memref_squeeze %dma_start3A_7 : memref<1x1x32x1024xf32, #tpu.memory_space<vmem_shared>> -> memref<32x1024xf32, #tpu.memory_space<vmem_shared>>
    %dma_start3A_9 = arith.constant 0 : i32
    %dma_start3A_10 = tpu.memref_slice %arg2[%add3A_4, %dma_start3A_9] : memref<8192x1024xf32, #tpu.memory_space<hbm>> -> memref<32x1024xf32, #tpu.memory_space<hbm>>
    tpu.enqueue_dma source(%dma_start3A_10 : memref<32x1024xf32, #tpu.memory_space<hbm>>) target(%dma_start3A_8 : memref<32x1024xf32, #tpu.memory_space<vmem_shared>>) target_semaphore(%arg7 : memref<!tpu.dma_semaphore, #tpu.memory_space<semaphore_mem>>)
    %add3A_11 = arith.constant 128 : i32
    %add3A_12 = arith.addi %mul3A_2, %add3A_11 : i32
    %add3A_13 = arith.constant 0 : i32
    %add3A_14 = arith.addi %add3A_12, %add3A_13 : i32
    %dma_start3A_15 = arith.constant 0 : i32
    %dma_start3A_16 = arith.constant 0 : i32
    %dma_start3A_17 = arith.constant 0 : i32
    %dma_start3A_18 = tpu.memref_slice %arg6[%dma_start3A_15, %dma_start3A_16, %dma_start3A_17] : memref<2x32x1024xf32, #tpu.memory_space<vmem>> -> memref<1x32x1024xf32, #tpu.memory_space<vmem>>
    %dma_start3A_19 = tpu.memref_squeeze %dma_start3A_18 : memref<1x32x1024xf32, #tpu.memory_space<vmem>> -> memref<32x1024xf32, #tpu.memory_space<vmem>>
    %dma_start3A_20 = arith.constant 0 : i32
    %dma_start3A_21 = tpu.memref_slice %arg2[%add3A_14, %dma_start3A_20] : memref<8192x1024xf32, #tpu.memory_space<hbm>> -> memref<32x1024xf32, #tpu.memory_space<hbm>>
    %dma_start3A_22 = arith.constant 0 : i32
    %dma_start3A_23 = arith.constant 0 : i32
    %dma_start3A_24 = tpu.memref_slice %arg6[%dma_start3A_15, %dma_start3A_22, %dma_start3A_23] : memref<2x32x1024xf32, #tpu.memory_space<vmem>> -> memref<1x32x1024xf32, #tpu.memory_space<vmem>>
    %dma_start3A_25 = tpu.memref_squeeze %dma_start3A_24 : memref<1x32x1024xf32, #tpu.memory_space<vmem>> -> memref<32x1024xf32, #tpu.memory_space<vmem>>
    %dma_start3A_26 = arith.constant 0 : i32
    %dma_start3A_27 = tpu.memref_slice %arg2[%add3A_14, %dma_start3A_26] : memref<8192x1024xf32, #tpu.memory_space<hbm>> -> memref<32x1024xf32, #tpu.memory_space<hbm>>
    tpu.enqueue_dma source(%dma_start3A_27 : memref<32x1024xf32, #tpu.memory_space<hbm>>) target(%dma_start3A_25 : memref<32x1024xf32, #tpu.memory_space<vmem>>) target_semaphore(%arg9 : memref<!tpu.dma_semaphore, #tpu.memory_space<semaphore_mem>>)
    %dma_wait3A = arith.constant 0 : i32
    %dma_wait3A_28 = arith.constant 0 : i32
    %dma_wait3A_29 = arith.constant 0 : i32
    %dma_wait3A_30 = tpu.memref_slice %arg5[%arg1, %dma_wait3A, %dma_wait3A_28, %dma_wait3A_29] : memref<16x2x32x1024xf32, #tpu.memory_space<vmem_shared>> -> memref<1x1x32x1024xf32, #tpu.memory_space<vmem_shared>>
    %dma_wait3A_31 = tpu.memref_squeeze %dma_wait3A_30 : memref<1x1x32x1024xf32, #tpu.memory_space<vmem_shared>> -> memref<32x1024xf32, #tpu.memory_space<vmem_shared>>
    %dma_wait3A_32 = arith.constant 0 : i32
    %dma_wait3A_33 = tpu.memref_slice %arg2[%add3A_4, %dma_wait3A_32] : memref<8192x1024xf32, #tpu.memory_space<hbm>> -> memref<32x1024xf32, #tpu.memory_space<hbm>>
    tpu.wait_dma2 semaphore(%arg7 : memref<!tpu.dma_semaphore, #tpu.memory_space<semaphore_mem>>) src(%dma_wait3A_33 : memref<32x1024xf32, #tpu.memory_space<hbm>>) dst(%dma_wait3A_31 : memref<32x1024xf32, #tpu.memory_space<vmem_shared>>)
    %add3A_34 = arith.constant 0 : i32
    %add3A_35 = arith.addi %mul3A_2, %add3A_34 : i32
    %dma_start3A_36 = arith.constant 0 : i32
    %dma_start3A_37 = arith.constant 0 : i32
    %dma_start3A_38 = tpu.memref_slice %arg4[%add3A_35, %dma_start3A_37] : memref<8192x1024xf32, #tpu.memory_space<hbm>> -> memref<32x1024xf32, #tpu.memory_space<hbm>>
    %dma_start3A_39 = arith.constant 0 : i32
    %dma_start3A_40 = arith.constant 0 : i32
    %dma_start3A_41 = tpu.memref_slice %arg5[%arg1, %dma_start3A_36, %dma_start3A_39, %dma_start3A_40] : memref<16x2x32x1024xf32, #tpu.memory_space<vmem_shared>> -> memref<1x1x32x1024xf32, #tpu.memory_space<vmem_shared>>
    %dma_start3A_42 = tpu.memref_squeeze %dma_start3A_41 : memref<1x1x32x1024xf32, #tpu.memory_space<vmem_shared>> -> memref<32x1024xf32, #tpu.memory_space<vmem_shared>>
    tpu.enqueue_dma source(%dma_start3A_42 : memref<32x1024xf32, #tpu.memory_space<vmem_shared>>) target(%dma_start3A_38 : memref<32x1024xf32, #tpu.memory_space<hbm>>) target_semaphore(%arg8 : memref<!tpu.dma_semaphore, #tpu.memory_space<semaphore_mem>>)
    %add3A_43 = arith.constant 32 : i32
    %add3A_44 = arith.addi %mul3A_2, %add3A_43 : i32
    %dma_start3A_45 = arith.constant 1 : i32
    %dma_start3A_46 = arith.constant 0 : i32
    %dma_start3A_47 = arith.constant 0 : i32
    %dma_start3A_48 = tpu.memref_slice %arg5[%arg1, %dma_start3A_45, %dma_start3A_46, %dma_start3A_47] : memref<16x2x32x1024xf32, #tpu.memory_space<vmem_shared>> -> memref<1x1x32x1024xf32, #tpu.memory_space<vmem_shared>>
    %dma_start3A_49 = tpu.memref_squeeze %dma_start3A_48 : memref<1x1x32x1024xf32, #tpu.memory_space<vmem_shared>> -> memref<32x1024xf32, #tpu.memory_space<vmem_shared>>
    %dma_start3A_50 = arith.constant 0 : i32
    %dma_start3A_51 = tpu.memref_slice %arg2[%add3A_44, %dma_start3A_50] : memref<8192x1024xf32, #tpu.memory_space<hbm>> -> memref<32x1024xf32, #tpu.memory_space<hbm>>
    tpu.enqueue_dma source(%dma_start3A_51 : memref<32x1024xf32, #tpu.memory_space<hbm>>) target(%dma_start3A_49 : memref<32x1024xf32, #tpu.memory_space<vmem_shared>>) target_semaphore(%arg7 : memref<!tpu.dma_semaphore, #tpu.memory_space<semaphore_mem>>)
    %dma_wait3A_52 = arith.constant 0 : i32
    %dma_wait3A_53 = arith.constant 0 : i32
    %dma_wait3A_54 = arith.constant 0 : i32
    %dma_wait3A_55 = tpu.memref_slice %arg6[%dma_wait3A_52, %dma_wait3A_53, %dma_wait3A_54] : memref<2x32x1024xf32, #tpu.memory_space<vmem>> -> memref<1x32x1024xf32, #tpu.memory_space<vmem>>
    %dma_wait3A_56 = tpu.memref_squeeze %dma_wait3A_55 : memref<1x32x1024xf32, #tpu.memory_space<vmem>> -> memref<32x1024xf32, #tpu.memory_space<vmem>>
    %dma_wait3A_57 = arith.constant 0 : i32
    %dma_wait3A_58 = tpu.memref_slice %arg2[%add3A_14, %dma_wait3A_57] : memref<8192x1024xf32, #tpu.memory_space<hbm>> -> memref<32x1024xf32, #tpu.memory_space<hbm>>
    %dma_wait3A_59 = arith.constant 0 : i32
    %dma_wait3A_60 = arith.constant 0 : i32
    %dma_wait3A_61 = tpu.memref_slice %arg6[%dma_wait3A_52, %dma_wait3A_59, %dma_wait3A_60] : memref<2x32x1024xf32, #tpu.memory_space<vmem>> -> memref<1x32x1024xf32, #tpu.memory_space<vmem>>
    %dma_wait3A_62 = tpu.memref_squeeze %dma_wait3A_61 : memref<1x32x1024xf32, #tpu.memory_space<vmem>> -> memref<32x1024xf32, #tpu.memory_space<vmem>>
    %dma_wait3A_63 = arith.constant 0 : i32
    %dma_wait3A_64 = tpu.memref_slice %arg2[%add3A_14, %dma_wait3A_63] : memref<8192x1024xf32, #tpu.memory_space<hbm>> -> memref<32x1024xf32, #tpu.memory_space<hbm>>
    tpu.wait_dma2 semaphore(%arg9 : memref<!tpu.dma_semaphore, #tpu.memory_space<semaphore_mem>>) src(%dma_wait3A_64 : memref<32x1024xf32, #tpu.memory_space<hbm>>) dst(%dma_wait3A_62 : memref<32x1024xf32, #tpu.memory_space<vmem>>)
    %add3A_65 = arith.constant 128 : i32
    %add3A_66 = arith.addi %mul3A_2, %add3A_65 : i32
    %add3A_67 = arith.constant 0 : i32
    %add3A_68 = arith.addi %add3A_66, %add3A_67 : i32
    %dma_start3A_69 = arith.constant 0 : i32
    %dma_start3A_70 = arith.constant 0 : i32
    %dma_start3A_71 = arith.constant 0 : i32
    %dma_start3A_72 = tpu.memref_slice %arg6[%dma_start3A_69, %dma_start3A_70, %dma_start3A_71] : memref<2x32x1024xf32, #tpu.memory_space<vmem>> -> memref<1x32x1024xf32, #tpu.memory_space<vmem>>
    %dma_start3A_73 = tpu.memref_squeeze %dma_start3A_72 : memref<1x32x1024xf32, #tpu.memory_space<vmem>> -> memref<32x1024xf32, #tpu.memory_space<vmem>>
    %dma_start3A_74 = arith.constant 0 : i32
    %dma_start3A_75 = tpu.memref_slice %arg4[%add3A_68, %dma_start3A_74] : memref<8192x1024xf32, #tpu.memory_space<hbm>> -> memref<32x1024xf32, #tpu.memory_space<hbm>>
    %dma_start3A_76 = arith.constant 0 : i32
    %dma_start3A_77 = tpu.memref_slice %arg4[%add3A_68, %dma_start3A_76] : memref<8192x1024xf32, #tpu.memory_space<hbm>> -> memref<32x1024xf32, #tpu.memory_space<hbm>>
    %dma_start3A_78 = arith.constant 0 : i32
    %dma_start3A_79 = arith.constant 0 : i32
    %dma_start3A_80 = tpu.memref_slice %arg6[%dma_start3A_69, %dma_start3A_78, %dma_start3A_79] : memref<2x32x1024xf32, #tpu.memory_space<vmem>> -> memref<1x32x1024xf32, #tpu.memory_space<vmem>>
    %dma_start3A_81 = tpu.memref_squeeze %dma_start3A_80 : memref<1x32x1024xf32, #tpu.memory_space<vmem>> -> memref<32x1024xf32, #tpu.memory_space<vmem>>
    tpu.enqueue_dma source(%dma_start3A_81 : memref<32x1024xf32, #tpu.memory_space<vmem>>) target(%dma_start3A_77 : memref<32x1024xf32, #tpu.memory_space<hbm>>) target_semaphore(%arg10 : memref<!tpu.dma_semaphore, #tpu.memory_space<semaphore_mem>>)
    %add3A_82 = arith.constant 128 : i32
    %add3A_83 = arith.addi %mul3A_2, %add3A_82 : i32
    %add3A_84 = arith.constant 32 : i32
    %add3A_85 = arith.addi %add3A_83, %add3A_84 : i32
    %dma_start3A_86 = arith.constant 1 : i32
    %dma_start3A_87 = arith.constant 0 : i32
    %dma_start3A_88 = arith.constant 0 : i32
    %dma_start3A_89 = tpu.memref_slice %arg6[%dma_start3A_86, %dma_start3A_87, %dma_start3A_88] : memref<2x32x1024xf32, #tpu.memory_space<vmem>> -> memref<1x32x1024xf32, #tpu.memory_space<vmem>>
    %dma_start3A_90 = tpu.memref_squeeze %dma_start3A_89 : memref<1x32x1024xf32, #tpu.memory_space<vmem>> -> memref<32x1024xf32, #tpu.memory_space<vmem>>
    %dma_start3A_91 = arith.constant 0 : i32
    %dma_start3A_92 = tpu.memref_slice %arg2[%add3A_85, %dma_start3A_91] : memref<8192x1024xf32, #tpu.memory_space<hbm>> -> memref<32x1024xf32, #tpu.memory_space<hbm>>
    %dma_start3A_93 = arith.constant 0 : i32
    %dma_start3A_94 = arith.constant 0 : i32
    %dma_start3A_95 = tpu.memref_slice %arg6[%dma_start3A_86, %dma_start3A_93, %dma_start3A_94] : memref<2x32x1024xf32, #tpu.memory_space<vmem>> -> memref<1x32x1024xf32, #tpu.memory_space<vmem>>
    %dma_start3A_96 = tpu.memref_squeeze %dma_start3A_95 : memref<1x32x1024xf32, #tpu.memory_space<vmem>> -> memref<32x1024xf32, #tpu.memory_space<vmem>>
    %dma_start3A_97 = arith.constant 0 : i32
    %dma_start3A_98 = tpu.memref_slice %arg2[%add3A_85, %dma_start3A_97] : memref<8192x1024xf32, #tpu.memory_space<hbm>> -> memref<32x1024xf32, #tpu.memory_space<hbm>>
    tpu.enqueue_dma source(%dma_start3A_98 : memref<32x1024xf32, #tpu.memory_space<hbm>>) target(%dma_start3A_96 : memref<32x1024xf32, #tpu.memory_space<vmem>>) target_semaphore(%arg9 : memref<!tpu.dma_semaphore, #tpu.memory_space<semaphore_mem>>)
    %dma_wait3A_99 = arith.constant 0 : i32
    %dma_wait3A_100 = arith.constant 0 : i32
    %dma_wait3A_101 = tpu.memref_slice %arg4[%add3A_35, %dma_wait3A_100] : memref<8192x1024xf32, #tpu.memory_space<hbm>> -> memref<32x1024xf32, #tpu.memory_space<hbm>>
    %dma_wait3A_102 = arith.constant 0 : i32
    %dma_wait3A_103 = arith.constant 0 : i32
    %dma_wait3A_104 = tpu.memref_slice %arg5[%arg1, %dma_wait3A_99, %dma_wait3A_102, %dma_wait3A_103] : memref<16x2x32x1024xf32, #tpu.memory_space<vmem_shared>> -> memref<1x1x32x1024xf32, #tpu.memory_space<vmem_shared>>
    %dma_wait3A_105 = tpu.memref_squeeze %dma_wait3A_104 : memref<1x1x32x1024xf32, #tpu.memory_space<vmem_shared>> -> memref<32x1024xf32, #tpu.memory_space<vmem_shared>>
    tpu.wait_dma2 semaphore(%arg8 : memref<!tpu.dma_semaphore, #tpu.memory_space<semaphore_mem>>) src(%dma_wait3A_105 : memref<32x1024xf32, #tpu.memory_space<vmem_shared>>) dst(%dma_wait3A_101 : memref<32x1024xf32, #tpu.memory_space<hbm>>)
    %dma_wait3A_106 = arith.constant 0 : i32
    %dma_wait3A_107 = arith.constant 0 : i32
    %dma_wait3A_108 = arith.constant 0 : i32
    %dma_wait3A_109 = tpu.memref_slice %arg6[%dma_wait3A_106, %dma_wait3A_107, %dma_wait3A_108] : memref<2x32x1024xf32, #tpu.memory_space<vmem>> -> memref<1x32x1024xf32, #tpu.memory_space<vmem>>
    %dma_wait3A_110 = tpu.memref_squeeze %dma_wait3A_109 : memref<1x32x1024xf32, #tpu.memory_space<vmem>> -> memref<32x1024xf32, #tpu.memory_space<vmem>>
    %dma_wait3A_111 = arith.constant 0 : i32
    %dma_wait3A_112 = tpu.memref_slice %arg4[%add3A_68, %dma_wait3A_111] : memref<8192x1024xf32, #tpu.memory_space<hbm>> -> memref<32x1024xf32, #tpu.memory_space<hbm>>
    %dma_wait3A_113 = arith.constant 0 : i32
    %dma_wait3A_114 = tpu.memref_slice %arg4[%add3A_68, %dma_wait3A_113] : memref<8192x1024xf32, #tpu.memory_space<hbm>> -> memref<32x1024xf32, #tpu.memory_space<hbm>>
    %dma_wait3A_115 = arith.constant 0 : i32
    %dma_wait3A_116 = arith.constant 0 : i32
    %dma_wait3A_117 = tpu.memref_slice %arg6[%dma_wait3A_106, %dma_wait3A_115, %dma_wait3A_116] : memref<2x32x1024xf32, #tpu.memory_space<vmem>> -> memref<1x32x1024xf32, #tpu.memory_space<vmem>>
    %dma_wait3A_118 = tpu.memref_squeeze %dma_wait3A_117 : memref<1x32x1024xf32, #tpu.memory_space<vmem>> -> memref<32x1024xf32, #tpu.memory_space<vmem>>
    tpu.wait_dma2 semaphore(%arg10 : memref<!tpu.dma_semaphore, #tpu.memory_space<semaphore_mem>>) src(%dma_wait3A_118 : memref<32x1024xf32, #tpu.memory_space<vmem>>) dst(%dma_wait3A_114 : memref<32x1024xf32, #tpu.memory_space<hbm>>)
    %dma_wait3A_119 = arith.constant 1 : i32
    %dma_wait3A_120 = arith.constant 0 : i32
    %dma_wait3A_121 = arith.constant 0 : i32
    %dma_wait3A_122 = tpu.memref_slice %arg5[%arg1, %dma_wait3A_119, %dma_wait3A_120, %dma_wait3A_121] : memref<16x2x32x1024xf32, #tpu.memory_space<vmem_shared>> -> memref<1x1x32x1024xf32, #tpu.memory_space<vmem_shared>>
    %dma_wait3A_123 = tpu.memref_squeeze %dma_wait3A_122 : memref<1x1x32x1024xf32, #tpu.memory_space<vmem_shared>> -> memref<32x1024xf32, #tpu.memory_space<vmem_shared>>
    %dma_wait3A_124 = arith.constant 0 : i32
    %dma_wait3A_125 = tpu.memref_slice %arg2[%add3A_44, %dma_wait3A_124] : memref<8192x1024xf32, #tpu.memory_space<hbm>> -> memref<32x1024xf32, #tpu.memory_space<hbm>>
    tpu.wait_dma2 semaphore(%arg7 : memref<!tpu.dma_semaphore, #tpu.memory_space<semaphore_mem>>) src(%dma_wait3A_125 : memref<32x1024xf32, #tpu.memory_space<hbm>>) dst(%dma_wait3A_123 : memref<32x1024xf32, #tpu.memory_space<vmem_shared>>)
    %add3A_126 = arith.constant 32 : i32
    %add3A_127 = arith.addi %mul3A_2, %add3A_126 : i32
    %dma_start3A_128 = arith.constant 1 : i32
    %dma_start3A_129 = arith.constant 0 : i32
    %dma_start3A_130 = tpu.memref_slice %arg4[%add3A_127, %dma_start3A_129] : memref<8192x1024xf32, #tpu.memory_space<hbm>> -> memref<32x1024xf32, #tpu.memory_space<hbm>>
    %dma_start3A_131 = arith.constant 0 : i32
    %dma_start3A_132 = arith.constant 0 : i32
    %dma_start3A_133 = tpu.memref_slice %arg5[%arg1, %dma_start3A_128, %dma_start3A_131, %dma_start3A_132] : memref<16x2x32x1024xf32, #tpu.memory_space<vmem_shared>> -> memref<1x1x32x1024xf32, #tpu.memory_space<vmem_shared>>
    %dma_start3A_134 = tpu.memref_squeeze %dma_start3A_133 : memref<1x1x32x1024xf32, #tpu.memory_space<vmem_shared>> -> memref<32x1024xf32, #tpu.memory_space<vmem_shared>>
    tpu.enqueue_dma source(%dma_start3A_134 : memref<32x1024xf32, #tpu.memory_space<vmem_shared>>) target(%dma_start3A_130 : memref<32x1024xf32, #tpu.memory_space<hbm>>) target_semaphore(%arg8 : memref<!tpu.dma_semaphore, #tpu.memory_space<semaphore_mem>>)
    %add3A_135 = arith.constant 64 : i32
    %add3A_136 = arith.addi %mul3A_2, %add3A_135 : i32
    %dma_start3A_137 = arith.constant 0 : i32
    %dma_start3A_138 = arith.constant 0 : i32
    %dma_start3A_139 = arith.constant 0 : i32
    %dma_start3A_140 = tpu.memref_slice %arg5[%arg1, %dma_start3A_137, %dma_start3A_138, %dma_start3A_139] : memref<16x2x32x1024xf32, #tpu.memory_space<vmem_shared>> -> memref<1x1x32x1024xf32, #tpu.memory_space<vmem_shared>>
    %dma_start3A_141 = tpu.memref_squeeze %dma_start3A_140 : memref<1x1x32x1024xf32, #tpu.memory_space<vmem_shared>> -> memref<32x1024xf32, #tpu.memory_space<vmem_shared>>
    %dma_start3A_142 = arith.constant 0 : i32
    %dma_start3A_143 = tpu.memref_slice %arg2[%add3A_136, %dma_start3A_142] : memref<8192x1024xf32, #tpu.memory_space<hbm>> -> memref<32x1024xf32, #tpu.memory_space<hbm>>
    tpu.enqueue_dma source(%dma_start3A_143 : memref<32x1024xf32, #tpu.memory_space<hbm>>) target(%dma_start3A_141 : memref<32x1024xf32, #tpu.memory_space<vmem_shared>>) target_semaphore(%arg7 : memref<!tpu.dma_semaphore, #tpu.memory_space<semaphore_mem>>)
    %dma_wait3A_144 = arith.constant 1 : i32
    %dma_wait3A_145 = arith.constant 0 : i32
    %dma_wait3A_146 = arith.constant 0 : i32
    %dma_wait3A_147 = tpu.memref_slice %arg6[%dma_wait3A_144, %dma_wait3A_145, %dma_wait3A_146] : memref<2x32x1024xf32, #tpu.memory_space<vmem>> -> memref<1x32x1024xf32, #tpu.memory_space<vmem>>
    %dma_wait3A_148 = tpu.memref_squeeze %dma_wait3A_147 : memref<1x32x1024xf32, #tpu.memory_space<vmem>> -> memref<32x1024xf32, #tpu.memory_space<vmem>>
    %dma_wait3A_149 = arith.constant 0 : i32
    %dma_wait3A_150 = tpu.memref_slice %arg2[%add3A_85, %dma_wait3A_149] : memref<8192x1024xf32, #tpu.memory_space<hbm>> -> memref<32x1024xf32, #tpu.memory_space<hbm>>
    %dma_wait3A_151 = arith.constant 0 : i32
    %dma_wait3A_152 = arith.constant 0 : i32
    %dma_wait3A_153 = tpu.memref_slice %arg6[%dma_wait3A_144, %dma_wait3A_151, %dma_wait3A_152] : memref<2x32x1024xf32, #tpu.memory_space<vmem>> -> memref<1x32x1024xf32, #tpu.memory_space<vmem>>
    %dma_wait3A_154 = tpu.memref_squeeze %dma_wait3A_153 : memref<1x32x1024xf32, #tpu.memory_space<vmem>> -> memref<32x1024xf32, #tpu.memory_space<vmem>>
    %dma_wait3A_155 = arith.constant 0 : i32
    %dma_wait3A_156 = tpu.memref_slice %arg2[%add3A_85, %dma_wait3A_155] : memref<8192x1024xf32, #tpu.memory_space<hbm>> -> memref<32x1024xf32, #tpu.memory_space<hbm>>
    tpu.wait_dma2 semaphore(%arg9 : memref<!tpu.dma_semaphore, #tpu.memory_space<semaphore_mem>>) src(%dma_wait3A_156 : memref<32x1024xf32, #tpu.memory_space<hbm>>) dst(%dma_wait3A_154 : memref<32x1024xf32, #tpu.memory_space<vmem>>)
    %add3A_157 = arith.constant 128 : i32
    %add3A_158 = arith.addi %mul3A_2, %add3A_157 : i32
    %add3A_159 = arith.constant 32 : i32
    %add3A_160 = arith.addi %add3A_158, %add3A_159 : i32
    %dma_start3A_161 = arith.constant 1 : i32
    %dma_start3A_162 = arith.constant 0 : i32
    %dma_start3A_163 = arith.constant 0 : i32
    %dma_start3A_164 = tpu.memref_slice %arg6[%dma_start3A_161, %dma_start3A_162, %dma_start3A_163] : memref<2x32x1024xf32, #tpu.memory_space<vmem>> -> memref<1x32x1024xf32, #tpu.memory_space<vmem>>
    %dma_start3A_165 = tpu.memref_squeeze %dma_start3A_164 : memref<1x32x1024xf32, #tpu.memory_space<vmem>> -> memref<32x1024xf32, #tpu.memory_space<vmem>>
    %dma_start3A_166 = arith.constant 0 : i32
    %dma_start3A_167 = tpu.memref_slice %arg4[%add3A_160, %dma_start3A_166] : memref<8192x1024xf32, #tpu.memory_space<hbm>> -> memref<32x1024xf32, #tpu.memory_space<hbm>>
    %dma_start3A_168 = arith.constant 0 : i32
    %dma_start3A_169 = tpu.memref_slice %arg4[%add3A_160, %dma_start3A_168] : memref<8192x1024xf32, #tpu.memory_space<hbm>> -> memref<32x1024xf32, #tpu.memory_space<hbm>>
    %dma_start3A_170 = arith.constant 0 : i32
    %dma_start3A_171 = arith.constant 0 : i32
    %dma_start3A_172 = tpu.memref_slice %arg6[%dma_start3A_161, %dma_start3A_170, %dma_start3A_171] : memref<2x32x1024xf32, #tpu.memory_space<vmem>> -> memref<1x32x1024xf32, #tpu.memory_space<vmem>>
    %dma_start3A_173 = tpu.memref_squeeze %dma_start3A_172 : memref<1x32x1024xf32, #tpu.memory_space<vmem>> -> memref<32x1024xf32, #tpu.memory_space<vmem>>
    tpu.enqueue_dma source(%dma_start3A_173 : memref<32x1024xf32, #tpu.memory_space<vmem>>) target(%dma_start3A_169 : memref<32x1024xf32, #tpu.memory_space<hbm>>) target_semaphore(%arg10 : memref<!tpu.dma_semaphore, #tpu.memory_space<semaphore_mem>>)
    %add3A_174 = arith.constant 128 : i32
    %add3A_175 = arith.addi %mul3A_2, %add3A_174 : i32
    %add3A_176 = arith.constant 64 : i32
    %add3A_177 = arith.addi %add3A_175, %add3A_176 : i32
    %dma_start3A_178 = arith.constant 0 : i32
    %dma_start3A_179 = arith.constant 0 : i32
    %dma_start3A_180 = arith.constant 0 : i32
    %dma_start3A_181 = tpu.memref_slice %arg6[%dma_start3A_178, %dma_start3A_179, %dma_start3A_180] : memref<2x32x1024xf32, #tpu.memory_space<vmem>> -> memref<1x32x1024xf32, #tpu.memory_space<vmem>>
    %dma_start3A_182 = tpu.memref_squeeze %dma_start3A_181 : memref<1x32x1024xf32, #tpu.memory_space<vmem>> -> memref<32x1024xf32, #tpu.memory_space<vmem>>
    %dma_start3A_183 = arith.constant 0 : i32
    %dma_start3A_184 = tpu.memref_slice %arg2[%add3A_177, %dma_start3A_183] : memref<8192x1024xf32, #tpu.memory_space<hbm>> -> memref<32x1024xf32, #tpu.memory_space<hbm>>
    %dma_start3A_185 = arith.constant 0 : i32
    %dma_start3A_186 = arith.constant 0 : i32
    %dma_start3A_187 = tpu.memref_slice %arg6[%dma_start3A_178, %dma_start3A_185, %dma_start3A_186] : memref<2x32x1024xf32, #tpu.memory_space<vmem>> -> memref<1x32x1024xf32, #tpu.memory_space<vmem>>
    %dma_start3A_188 = tpu.memref_squeeze %dma_start3A_187 : memref<1x32x1024xf32, #tpu.memory_space<vmem>> -> memref<32x1024xf32, #tpu.memory_space<vmem>>
    %dma_start3A_189 = arith.constant 0 : i32
    %dma_start3A_190 = tpu.memref_slice %arg2[%add3A_177, %dma_start3A_189] : memref<8192x1024xf32, #tpu.memory_space<hbm>> -> memref<32x1024xf32, #tpu.memory_space<hbm>>
    tpu.enqueue_dma source(%dma_start3A_190 : memref<32x1024xf32, #tpu.memory_space<hbm>>) target(%dma_start3A_188 : memref<32x1024xf32, #tpu.memory_space<vmem>>) target_semaphore(%arg9 : memref<!tpu.dma_semaphore, #tpu.memory_space<semaphore_mem>>)
    %dma_wait3A_191 = arith.constant 1 : i32
    %dma_wait3A_192 = arith.constant 0 : i32
    %dma_wait3A_193 = tpu.memref_slice %arg4[%add3A_127, %dma_wait3A_192] : memref<8192x1024xf32, #tpu.memory_space<hbm>> -> memref<32x1024xf32, #tpu.memory_space<hbm>>
    %dma_wait3A_194 = arith.constant 0 : i32
    %dma_wait3A_195 = arith.constant 0 : i32
    %dma_wait3A_196 = tpu.memref_slice %arg5[%arg1, %dma_wait3A_191, %dma_wait3A_194, %dma_wait3A_195] : memref<16x2x32x1024xf32, #tpu.memory_space<vmem_shared>> -> memref<1x1x32x1024xf32, #tpu.memory_space<vmem_shared>>
    %dma_wait3A_197 = tpu.memref_squeeze %dma_wait3A_196 : memref<1x1x32x1024xf32, #tpu.memory_space<vmem_shared>> -> memref<32x1024xf32, #tpu.memory_space<vmem_shared>>
    tpu.wait_dma2 semaphore(%arg8 : memref<!tpu.dma_semaphore, #tpu.memory_space<semaphore_mem>>) src(%dma_wait3A_197 : memref<32x1024xf32, #tpu.memory_space<vmem_shared>>) dst(%dma_wait3A_193 : memref<32x1024xf32, #tpu.memory_space<hbm>>)
    %dma_wait3A_198 = arith.constant 1 : i32
    %dma_wait3A_199 = arith.constant 0 : i32
    %dma_wait3A_200 = arith.constant 0 : i32
    %dma_wait3A_201 = tpu.memref_slice %arg6[%dma_wait3A_198, %dma_wait3A_199, %dma_wait3A_200] : memref<2x32x1024xf32, #tpu.memory_space<vmem>> -> memref<1x32x1024xf32, #tpu.memory_space<vmem>>
    %dma_wait3A_202 = tpu.memref_squeeze %dma_wait3A_201 : memref<1x32x1024xf32, #tpu.memory_space<vmem>> -> memref<32x1024xf32, #tpu.memory_space<vmem>>
    %dma_wait3A_203 = arith.constant 0 : i32
    %dma_wait3A_204 = tpu.memref_slice %arg4[%add3A_160, %dma_wait3A_203] : memref<8192x1024xf32, #tpu.memory_space<hbm>> -> memref<32x1024xf32, #tpu.memory_space<hbm>>
    %dma_wait3A_205 = arith.constant 0 : i32
    %dma_wait3A_206 = tpu.memref_slice %arg4[%add3A_160, %dma_wait3A_205] : memref<8192x1024xf32, #tpu.memory_space<hbm>> -> memref<32x1024xf32, #tpu.memory_space<hbm>>
    %dma_wait3A_207 = arith.constant 0 : i32
    %dma_wait3A_208 = arith.constant 0 : i32
    %dma_wait3A_209 = tpu.memref_slice %arg6[%dma_wait3A_198, %dma_wait3A_207, %dma_wait3A_208] : memref<2x32x1024xf32, #tpu.memory_space<vmem>> -> memref<1x32x1024xf32, #tpu.memory_space<vmem>>
    %dma_wait3A_210 = tpu.memref_squeeze %dma_wait3A_209 : memref<1x32x1024xf32, #tpu.memory_space<vmem>> -> memref<32x1024xf32, #tpu.memory_space<vmem>>
    tpu.wait_dma2 semaphore(%arg10 : memref<!tpu.dma_semaphore, #tpu.memory_space<semaphore_mem>>) src(%dma_wait3A_210 : memref<32x1024xf32, #tpu.memory_space<vmem>>) dst(%dma_wait3A_206 : memref<32x1024xf32, #tpu.memory_space<hbm>>)
    %dma_wait3A_211 = arith.constant 0 : i32
    %dma_wait3A_212 = arith.constant 0 : i32
    %dma_wait3A_213 = arith.constant 0 : i32
    %dma_wait3A_214 = tpu.memref_slice %arg5[%arg1, %dma_wait3A_211, %dma_wait3A_212, %dma_wait3A_213] : memref<16x2x32x1024xf32, #tpu.memory_space<vmem_shared>> -> memref<1x1x32x1024xf32, #tpu.memory_space<vmem_shared>>
    %dma_wait3A_215 = tpu.memref_squeeze %dma_wait3A_214 : memref<1x1x32x1024xf32, #tpu.memory_space<vmem_shared>> -> memref<32x1024xf32, #tpu.memory_space<vmem_shared>>
    %dma_wait3A_216 = arith.constant 0 : i32
    %dma_wait3A_217 = tpu.memref_slice %arg2[%add3A_136, %dma_wait3A_216] : memref<8192x1024xf32, #tpu.memory_space<hbm>> -> memref<32x1024xf32, #tpu.memory_space<hbm>>
    tpu.wait_dma2 semaphore(%arg7 : memref<!tpu.dma_semaphore, #tpu.memory_space<semaphore_mem>>) src(%dma_wait3A_217 : memref<32x1024xf32, #tpu.memory_space<hbm>>) dst(%dma_wait3A_215 : memref<32x1024xf32, #tpu.memory_space<vmem_shared>>)
    %add3A_218 = arith.constant 64 : i32
    %add3A_219 = arith.addi %mul3A_2, %add3A_218 : i32
    %dma_start3A_220 = arith.constant 0 : i32
    %dma_start3A_221 = arith.constant 0 : i32
    %dma_start3A_222 = tpu.memref_slice %arg4[%add3A_219, %dma_start3A_221] : memref<8192x1024xf32, #tpu.memory_space<hbm>> -> memref<32x1024xf32, #tpu.memory_space<hbm>>
    %dma_start3A_223 = arith.constant 0 : i32
    %dma_start3A_224 = arith.constant 0 : i32
    %dma_start3A_225 = tpu.memref_slice %arg5[%arg1, %dma_start3A_220, %dma_start3A_223, %dma_start3A_224] : memref<16x2x32x1024xf32, #tpu.memory_space<vmem_shared>> -> memref<1x1x32x1024xf32, #tpu.memory_space<vmem_shared>>
    %dma_start3A_226 = tpu.memref_squeeze %dma_start3A_225 : memref<1x1x32x1024xf32, #tpu.memory_space<vmem_shared>> -> memref<32x1024xf32, #tpu.memory_space<vmem_shared>>
    tpu.enqueue_dma source(%dma_start3A_226 : memref<32x1024xf32, #tpu.memory_space<vmem_shared>>) target(%dma_start3A_222 : memref<32x1024xf32, #tpu.memory_space<hbm>>) target_semaphore(%arg8 : memref<!tpu.dma_semaphore, #tpu.memory_space<semaphore_mem>>)
    %add3A_227 = arith.constant 96 : i32
    %add3A_228 = arith.addi %mul3A_2, %add3A_227 : i32
    %dma_start3A_229 = arith.constant 1 : i32
    %dma_start3A_230 = arith.constant 0 : i32
    %dma_start3A_231 = arith.constant 0 : i32
    %dma_start3A_232 = tpu.memref_slice %arg5[%arg1, %dma_start3A_229, %dma_start3A_230, %dma_start3A_231] : memref<16x2x32x1024xf32, #tpu.memory_space<vmem_shared>> -> memref<1x1x32x1024xf32, #tpu.memory_space<vmem_shared>>
    %dma_start3A_233 = tpu.memref_squeeze %dma_start3A_232 : memref<1x1x32x1024xf32, #tpu.memory_space<vmem_shared>> -> memref<32x1024xf32, #tpu.memory_space<vmem_shared>>
    %dma_start3A_234 = arith.constant 0 : i32
    %dma_start3A_235 = tpu.memref_slice %arg2[%add3A_228, %dma_start3A_234] : memref<8192x1024xf32, #tpu.memory_space<hbm>> -> memref<32x1024xf32, #tpu.memory_space<hbm>>
    tpu.enqueue_dma source(%dma_start3A_235 : memref<32x1024xf32, #tpu.memory_space<hbm>>) target(%dma_start3A_233 : memref<32x1024xf32, #tpu.memory_space<vmem_shared>>) target_semaphore(%arg7 : memref<!tpu.dma_semaphore, #tpu.memory_space<semaphore_mem>>)
    %dma_wait3A_236 = arith.constant 0 : i32
    %dma_wait3A_237 = arith.constant 0 : i32
    %dma_wait3A_238 = arith.constant 0 : i32
    %dma_wait3A_239 = tpu.memref_slice %arg6[%dma_wait3A_236, %dma_wait3A_237, %dma_wait3A_238] : memref<2x32x1024xf32, #tpu.memory_space<vmem>> -> memref<1x32x1024xf32, #tpu.memory_space<vmem>>
    %dma_wait3A_240 = tpu.memref_squeeze %dma_wait3A_239 : memref<1x32x1024xf32, #tpu.memory_space<vmem>> -> memref<32x1024xf32, #tpu.memory_space<vmem>>
    %dma_wait3A_241 = arith.constant 0 : i32
    %dma_wait3A_242 = tpu.memref_slice %arg2[%add3A_177, %dma_wait3A_241] : memref<8192x1024xf32, #tpu.memory_space<hbm>> -> memref<32x1024xf32, #tpu.memory_space<hbm>>
    %dma_wait3A_243 = arith.constant 0 : i32
    %dma_wait3A_244 = arith.constant 0 : i32
    %dma_wait3A_245 = tpu.memref_slice %arg6[%dma_wait3A_236, %dma_wait3A_243, %dma_wait3A_244] : memref<2x32x1024xf32, #tpu.memory_space<vmem>> -> memref<1x32x1024xf32, #tpu.memory_space<vmem>>
    %dma_wait3A_246 = tpu.memref_squeeze %dma_wait3A_245 : memref<1x32x1024xf32, #tpu.memory_space<vmem>> -> memref<32x1024xf32, #tpu.memory_space<vmem>>
    %dma_wait3A_247 = arith.constant 0 : i32
    %dma_wait3A_248 = tpu.memref_slice %arg2[%add3A_177, %dma_wait3A_247] : memref<8192x1024xf32, #tpu.memory_space<hbm>> -> memref<32x1024xf32, #tpu.memory_space<hbm>>
    tpu.wait_dma2 semaphore(%arg9 : memref<!tpu.dma_semaphore, #tpu.memory_space<semaphore_mem>>) src(%dma_wait3A_248 : memref<32x1024xf32, #tpu.memory_space<hbm>>) dst(%dma_wait3A_246 : memref<32x1024xf32, #tpu.memory_space<vmem>>)
    %add3A_249 = arith.constant 128 : i32
    %add3A_250 = arith.addi %mul3A_2, %add3A_249 : i32
    %add3A_251 = arith.constant 64 : i32
    %add3A_252 = arith.addi %add3A_250, %add3A_251 : i32
    %dma_start3A_253 = arith.constant 0 : i32
    %dma_start3A_254 = arith.constant 0 : i32
    %dma_start3A_255 = arith.constant 0 : i32
    %dma_start3A_256 = tpu.memref_slice %arg6[%dma_start3A_253, %dma_start3A_254, %dma_start3A_255] : memref<2x32x1024xf32, #tpu.memory_space<vmem>> -> memref<1x32x1024xf32, #tpu.memory_space<vmem>>
    %dma_start3A_257 = tpu.memref_squeeze %dma_start3A_256 : memref<1x32x1024xf32, #tpu.memory_space<vmem>> -> memref<32x1024xf32, #tpu.memory_space<vmem>>
    %dma_start3A_258 = arith.constant 0 : i32
    %dma_start3A_259 = tpu.memref_slice %arg4[%add3A_252, %dma_start3A_258] : memref<8192x1024xf32, #tpu.memory_space<hbm>> -> memref<32x1024xf32, #tpu.memory_space<hbm>>
    %dma_start3A_260 = arith.constant 0 : i32
    %dma_start3A_261 = tpu.memref_slice %arg4[%add3A_252, %dma_start3A_260] : memref<8192x1024xf32, #tpu.memory_space<hbm>> -> memref<32x1024xf32, #tpu.memory_space<hbm>>
    %dma_start3A_262 = arith.constant 0 : i32
    %dma_start3A_263 = arith.constant 0 : i32
    %dma_start3A_264 = tpu.memref_slice %arg6[%dma_start3A_253, %dma_start3A_262, %dma_start3A_263] : memref<2x32x1024xf32, #tpu.memory_space<vmem>> -> memref<1x32x1024xf32, #tpu.memory_space<vmem>>
    %dma_start3A_265 = tpu.memref_squeeze %dma_start3A_264 : memref<1x32x1024xf32, #tpu.memory_space<vmem>> -> memref<32x1024xf32, #tpu.memory_space<vmem>>
    tpu.enqueue_dma source(%dma_start3A_265 : memref<32x1024xf32, #tpu.memory_space<vmem>>) target(%dma_start3A_261 : memref<32x1024xf32, #tpu.memory_space<hbm>>) target_semaphore(%arg10 : memref<!tpu.dma_semaphore, #tpu.memory_space<semaphore_mem>>)
    %add3A_266 = arith.constant 128 : i32
    %add3A_267 = arith.addi %mul3A_2, %add3A_266 : i32
    %add3A_268 = arith.constant 96 : i32
    %add3A_269 = arith.addi %add3A_267, %add3A_268 : i32
    %dma_start3A_270 = arith.constant 1 : i32
    %dma_start3A_271 = arith.constant 0 : i32
    %dma_start3A_272 = arith.constant 0 : i32
    %dma_start3A_273 = tpu.memref_slice %arg6[%dma_start3A_270, %dma_start3A_271, %dma_start3A_272] : memref<2x32x1024xf32, #tpu.memory_space<vmem>> -> memref<1x32x1024xf32, #tpu.memory_space<vmem>>
    %dma_start3A_274 = tpu.memref_squeeze %dma_start3A_273 : memref<1x32x1024xf32, #tpu.memory_space<vmem>> -> memref<32x1024xf32, #tpu.memory_space<vmem>>
    %dma_start3A_275 = arith.constant 0 : i32
    %dma_start3A_276 = tpu.memref_slice %arg2[%add3A_269, %dma_start3A_275] : memref<8192x1024xf32, #tpu.memory_space<hbm>> -> memref<32x1024xf32, #tpu.memory_space<hbm>>
    %dma_start3A_277 = arith.constant 0 : i32
    %dma_start3A_278 = arith.constant 0 : i32
    %dma_start3A_279 = tpu.memref_slice %arg6[%dma_start3A_270, %dma_start3A_277, %dma_start3A_278] : memref<2x32x1024xf32, #tpu.memory_space<vmem>> -> memref<1x32x1024xf32, #tpu.memory_space<vmem>>
    %dma_start3A_280 = tpu.memref_squeeze %dma_start3A_279 : memref<1x32x1024xf32, #tpu.memory_space<vmem>> -> memref<32x1024xf32, #tpu.memory_space<vmem>>
    %dma_start3A_281 = arith.constant 0 : i32
    %dma_start3A_282 = tpu.memref_slice %arg2[%add3A_269, %dma_start3A_281] : memref<8192x1024xf32, #tpu.memory_space<hbm>> -> memref<32x1024xf32, #tpu.memory_space<hbm>>
    tpu.enqueue_dma source(%dma_start3A_282 : memref<32x1024xf32, #tpu.memory_space<hbm>>) target(%dma_start3A_280 : memref<32x1024xf32, #tpu.memory_space<vmem>>) target_semaphore(%arg9 : memref<!tpu.dma_semaphore, #tpu.memory_space<semaphore_mem>>)
    %dma_wait3A_283 = arith.constant 0 : i32
    %dma_wait3A_284 = arith.constant 0 : i32
    %dma_wait3A_285 = tpu.memref_slice %arg4[%add3A_219, %dma_wait3A_284] : memref<8192x1024xf32, #tpu.memory_space<hbm>> -> memref<32x1024xf32, #tpu.memory_space<hbm>>
    %dma_wait3A_286 = arith.constant 0 : i32
    %dma_wait3A_287 = arith.constant 0 : i32
    %dma_wait3A_288 = tpu.memref_slice %arg5[%arg1, %dma_wait3A_283, %dma_wait3A_286, %dma_wait3A_287] : memref<16x2x32x1024xf32, #tpu.memory_space<vmem_shared>> -> memref<1x1x32x1024xf32, #tpu.memory_space<vmem_shared>>
    %dma_wait3A_289 = tpu.memref_squeeze %dma_wait3A_288 : memref<1x1x32x1024xf32, #tpu.memory_space<vmem_shared>> -> memref<32x1024xf32, #tpu.memory_space<vmem_shared>>
    tpu.wait_dma2 semaphore(%arg8 : memref<!tpu.dma_semaphore, #tpu.memory_space<semaphore_mem>>) src(%dma_wait3A_289 : memref<32x1024xf32, #tpu.memory_space<vmem_shared>>) dst(%dma_wait3A_285 : memref<32x1024xf32, #tpu.memory_space<hbm>>)
    %dma_wait3A_290 = arith.constant 0 : i32
    %dma_wait3A_291 = arith.constant 0 : i32
    %dma_wait3A_292 = arith.constant 0 : i32
    %dma_wait3A_293 = tpu.memref_slice %arg6[%dma_wait3A_290, %dma_wait3A_291, %dma_wait3A_292] : memref<2x32x1024xf32, #tpu.memory_space<vmem>> -> memref<1x32x1024xf32, #tpu.memory_space<vmem>>
    %dma_wait3A_294 = tpu.memref_squeeze %dma_wait3A_293 : memref<1x32x1024xf32, #tpu.memory_space<vmem>> -> memref<32x1024xf32, #tpu.memory_space<vmem>>
    %dma_wait3A_295 = arith.constant 0 : i32
    %dma_wait3A_296 = tpu.memref_slice %arg4[%add3A_252, %dma_wait3A_295] : memref<8192x1024xf32, #tpu.memory_space<hbm>> -> memref<32x1024xf32, #tpu.memory_space<hbm>>
    %dma_wait3A_297 = arith.constant 0 : i32
    %dma_wait3A_298 = tpu.memref_slice %arg4[%add3A_252, %dma_wait3A_297] : memref<8192x1024xf32, #tpu.memory_space<hbm>> -> memref<32x1024xf32, #tpu.memory_space<hbm>>
    %dma_wait3A_299 = arith.constant 0 : i32
    %dma_wait3A_300 = arith.constant 0 : i32
    %dma_wait3A_301 = tpu.memref_slice %arg6[%dma_wait3A_290, %dma_wait3A_299, %dma_wait3A_300] : memref<2x32x1024xf32, #tpu.memory_space<vmem>> -> memref<1x32x1024xf32, #tpu.memory_space<vmem>>
    %dma_wait3A_302 = tpu.memref_squeeze %dma_wait3A_301 : memref<1x32x1024xf32, #tpu.memory_space<vmem>> -> memref<32x1024xf32, #tpu.memory_space<vmem>>
    tpu.wait_dma2 semaphore(%arg10 : memref<!tpu.dma_semaphore, #tpu.memory_space<semaphore_mem>>) src(%dma_wait3A_302 : memref<32x1024xf32, #tpu.memory_space<vmem>>) dst(%dma_wait3A_298 : memref<32x1024xf32, #tpu.memory_space<hbm>>)
    %dma_wait3A_303 = arith.constant 1 : i32
    %dma_wait3A_304 = arith.constant 0 : i32
    %dma_wait3A_305 = arith.constant 0 : i32
    %dma_wait3A_306 = tpu.memref_slice %arg5[%arg1, %dma_wait3A_303, %dma_wait3A_304, %dma_wait3A_305] : memref<16x2x32x1024xf32, #tpu.memory_space<vmem_shared>> -> memref<1x1x32x1024xf32, #tpu.memory_space<vmem_shared>>
    %dma_wait3A_307 = tpu.memref_squeeze %dma_wait3A_306 : memref<1x1x32x1024xf32, #tpu.memory_space<vmem_shared>> -> memref<32x1024xf32, #tpu.memory_space<vmem_shared>>
    %dma_wait3A_308 = arith.constant 0 : i32
    %dma_wait3A_309 = tpu.memref_slice %arg2[%add3A_228, %dma_wait3A_308] : memref<8192x1024xf32, #tpu.memory_space<hbm>> -> memref<32x1024xf32, #tpu.memory_space<hbm>>
    tpu.wait_dma2 semaphore(%arg7 : memref<!tpu.dma_semaphore, #tpu.memory_space<semaphore_mem>>) src(%dma_wait3A_309 : memref<32x1024xf32, #tpu.memory_space<hbm>>) dst(%dma_wait3A_307 : memref<32x1024xf32, #tpu.memory_space<vmem_shared>>)
    %add3A_310 = arith.constant 96 : i32
    %add3A_311 = arith.addi %mul3A_2, %add3A_310 : i32
    %dma_start3A_312 = arith.constant 1 : i32
    %dma_start3A_313 = arith.constant 0 : i32
    %dma_start3A_314 = tpu.memref_slice %arg4[%add3A_311, %dma_start3A_313] : memref<8192x1024xf32, #tpu.memory_space<hbm>> -> memref<32x1024xf32, #tpu.memory_space<hbm>>
    %dma_start3A_315 = arith.constant 0 : i32
    %dma_start3A_316 = arith.constant 0 : i32
    %dma_start3A_317 = tpu.memref_slice %arg5[%arg1, %dma_start3A_312, %dma_start3A_315, %dma_start3A_316] : memref<16x2x32x1024xf32, #tpu.memory_space<vmem_shared>> -> memref<1x1x32x1024xf32, #tpu.memory_space<vmem_shared>>
    %dma_start3A_318 = tpu.memref_squeeze %dma_start3A_317 : memref<1x1x32x1024xf32, #tpu.memory_space<vmem_shared>> -> memref<32x1024xf32, #tpu.memory_space<vmem_shared>>
    tpu.enqueue_dma source(%dma_start3A_318 : memref<32x1024xf32, #tpu.memory_space<vmem_shared>>) target(%dma_start3A_314 : memref<32x1024xf32, #tpu.memory_space<hbm>>) target_semaphore(%arg8 : memref<!tpu.dma_semaphore, #tpu.memory_space<semaphore_mem>>)
    %dma_wait3A_319 = arith.constant 1 : i32
    %dma_wait3A_320 = arith.constant 0 : i32
    %dma_wait3A_321 = arith.constant 0 : i32
    %dma_wait3A_322 = tpu.memref_slice %arg6[%dma_wait3A_319, %dma_wait3A_320, %dma_wait3A_321] : memref<2x32x1024xf32, #tpu.memory_space<vmem>> -> memref<1x32x1024xf32, #tpu.memory_space<vmem>>
    %dma_wait3A_323 = tpu.memref_squeeze %dma_wait3A_322 : memref<1x32x1024xf32, #tpu.memory_space<vmem>> -> memref<32x1024xf32, #tpu.memory_space<vmem>>
    %dma_wait3A_324 = arith.constant 0 : i32
    %dma_wait3A_325 = tpu.memref_slice %arg2[%add3A_269, %dma_wait3A_324] : memref<8192x1024xf32, #tpu.memory_space<hbm>> -> memref<32x1024xf32, #tpu.memory_space<hbm>>
    %dma_wait3A_326 = arith.constant 0 : i32
    %dma_wait3A_327 = arith.constant 0 : i32
    %dma_wait3A_328 = tpu.memref_slice %arg6[%dma_wait3A_319, %dma_wait3A_326, %dma_wait3A_327] : memref<2x32x1024xf32, #tpu.memory_space<vmem>> -> memref<1x32x1024xf32, #tpu.memory_space<vmem>>
    %dma_wait3A_329 = tpu.memref_squeeze %dma_wait3A_328 : memref<1x32x1024xf32, #tpu.memory_space<vmem>> -> memref<32x1024xf32, #tpu.memory_space<vmem>>
    %dma_wait3A_330 = arith.constant 0 : i32
    %dma_wait3A_331 = tpu.memref_slice %arg2[%add3A_269, %dma_wait3A_330] : memref<8192x1024xf32, #tpu.memory_space<hbm>> -> memref<32x1024xf32, #tpu.memory_space<hbm>>
    tpu.wait_dma2 semaphore(%arg9 : memref<!tpu.dma_semaphore, #tpu.memory_space<semaphore_mem>>) src(%dma_wait3A_331 : memref<32x1024xf32, #tpu.memory_space<hbm>>) dst(%dma_wait3A_329 : memref<32x1024xf32, #tpu.memory_space<vmem>>)
    %add3A_332 = arith.constant 128 : i32
    %add3A_333 = arith.addi %mul3A_2, %add3A_332 : i32
    %add3A_334 = arith.constant 96 : i32
    %add3A_335 = arith.addi %add3A_333, %add3A_334 : i32
    %dma_start3A_336 = arith.constant 1 : i32
    %dma_start3A_337 = arith.constant 0 : i32
    %dma_start3A_338 = arith.constant 0 : i32
    %dma_start3A_339 = tpu.memref_slice %arg6[%dma_start3A_336, %dma_start3A_337, %dma_start3A_338] : memref<2x32x1024xf32, #tpu.memory_space<vmem>> -> memref<1x32x1024xf32, #tpu.memory_space<vmem>>
    %dma_start3A_340 = tpu.memref_squeeze %dma_start3A_339 : memref<1x32x1024xf32, #tpu.memory_space<vmem>> -> memref<32x1024xf32, #tpu.memory_space<vmem>>
    %dma_start3A_341 = arith.constant 0 : i32
    %dma_start3A_342 = tpu.memref_slice %arg4[%add3A_335, %dma_start3A_341] : memref<8192x1024xf32, #tpu.memory_space<hbm>> -> memref<32x1024xf32, #tpu.memory_space<hbm>>
    %dma_start3A_343 = arith.constant 0 : i32
    %dma_start3A_344 = tpu.memref_slice %arg4[%add3A_335, %dma_start3A_343] : memref<8192x1024xf32, #tpu.memory_space<hbm>> -> memref<32x1024xf32, #tpu.memory_space<hbm>>
    %dma_start3A_345 = arith.constant 0 : i32
    %dma_start3A_346 = arith.constant 0 : i32
    %dma_start3A_347 = tpu.memref_slice %arg6[%dma_start3A_336, %dma_start3A_345, %dma_start3A_346] : memref<2x32x1024xf32, #tpu.memory_space<vmem>> -> memref<1x32x1024xf32, #tpu.memory_space<vmem>>
    %dma_start3A_348 = tpu.memref_squeeze %dma_start3A_347 : memref<1x32x1024xf32, #tpu.memory_space<vmem>> -> memref<32x1024xf32, #tpu.memory_space<vmem>>
    tpu.enqueue_dma source(%dma_start3A_348 : memref<32x1024xf32, #tpu.memory_space<vmem>>) target(%dma_start3A_344 : memref<32x1024xf32, #tpu.memory_space<hbm>>) target_semaphore(%arg10 : memref<!tpu.dma_semaphore, #tpu.memory_space<semaphore_mem>>)
    %dma_wait3A_349 = arith.constant 1 : i32
    %dma_wait3A_350 = arith.constant 0 : i32
    %dma_wait3A_351 = tpu.memref_slice %arg4[%add3A_311, %dma_wait3A_350] : memref<8192x1024xf32, #tpu.memory_space<hbm>> -> memref<32x1024xf32, #tpu.memory_space<hbm>>
    %dma_wait3A_352 = arith.constant 0 : i32
    %dma_wait3A_353 = arith.constant 0 : i32
    %dma_wait3A_354 = tpu.memref_slice %arg5[%arg1, %dma_wait3A_349, %dma_wait3A_352, %dma_wait3A_353] : memref<16x2x32x1024xf32, #tpu.memory_space<vmem_shared>> -> memref<1x1x32x1024xf32, #tpu.memory_space<vmem_shared>>
    %dma_wait3A_355 = tpu.memref_squeeze %dma_wait3A_354 : memref<1x1x32x1024xf32, #tpu.memory_space<vmem_shared>> -> memref<32x1024xf32, #tpu.memory_space<vmem_shared>>
    tpu.wait_dma2 semaphore(%arg8 : memref<!tpu.dma_semaphore, #tpu.memory_space<semaphore_mem>>) src(%dma_wait3A_355 : memref<32x1024xf32, #tpu.memory_space<vmem_shared>>) dst(%dma_wait3A_351 : memref<32x1024xf32, #tpu.memory_space<hbm>>)
    %dma_wait3A_356 = arith.constant 1 : i32
    %dma_wait3A_357 = arith.constant 0 : i32
    %dma_wait3A_358 = arith.constant 0 : i32
    %dma_wait3A_359 = tpu.memref_slice %arg6[%dma_wait3A_356, %dma_wait3A_357, %dma_wait3A_358] : memref<2x32x1024xf32, #tpu.memory_space<vmem>> -> memref<1x32x1024xf32, #tpu.memory_space<vmem>>
    %dma_wait3A_360 = tpu.memref_squeeze %dma_wait3A_359 : memref<1x32x1024xf32, #tpu.memory_space<vmem>> -> memref<32x1024xf32, #tpu.memory_space<vmem>>
    %dma_wait3A_361 = arith.constant 0 : i32
    %dma_wait3A_362 = tpu.memref_slice %arg4[%add3A_335, %dma_wait3A_361] : memref<8192x1024xf32, #tpu.memory_space<hbm>> -> memref<32x1024xf32, #tpu.memory_space<hbm>>
    %dma_wait3A_363 = arith.constant 0 : i32
    %dma_wait3A_364 = tpu.memref_slice %arg4[%add3A_335, %dma_wait3A_363] : memref<8192x1024xf32, #tpu.memory_space<hbm>> -> memref<32x1024xf32, #tpu.memory_space<hbm>>
    %dma_wait3A_365 = arith.constant 0 : i32
    %dma_wait3A_366 = arith.constant 0 : i32
    %dma_wait3A_367 = tpu.memref_slice %arg6[%dma_wait3A_356, %dma_wait3A_365, %dma_wait3A_366] : memref<2x32x1024xf32, #tpu.memory_space<vmem>> -> memref<1x32x1024xf32, #tpu.memory_space<vmem>>
    %dma_wait3A_368 = tpu.memref_squeeze %dma_wait3A_367 : memref<1x32x1024xf32, #tpu.memory_space<vmem>> -> memref<32x1024xf32, #tpu.memory_space<vmem>>
    tpu.wait_dma2 semaphore(%arg10 : memref<!tpu.dma_semaphore, #tpu.memory_space<semaphore_mem>>) src(%dma_wait3A_368 : memref<32x1024xf32, #tpu.memory_space<vmem>>) dst(%dma_wait3A_364 : memref<32x1024xf32, #tpu.memory_space<hbm>>)
    %run_scoped3A = arith.constant 0 : i32
    %run_scoped3A_369 = arith.constant 0 : i32
    "tpu.region"() ({
      %run_scoped3A_428 = tpu.sem_alloc : memref<!tpu.dma_semaphore, #tpu.memory_space<semaphore_mem>>
      %dma_start3A_429 = arith.constant 0 : i32
      %dma_start3A_430 = tpu.memref_slice %arg6[%run_scoped3A, %run_scoped3A_369, %dma_start3A_429] : memref<2x32x1024xf32, #tpu.memory_space<vmem>> -> memref<1x1x16xf32, #tpu.memory_space<vmem>>
      %dma_start3A_431 = tpu.memref_squeeze %dma_start3A_430 : memref<1x1x16xf32, #tpu.memory_space<vmem>> -> memref<16xf32, #tpu.memory_space<vmem>>
      %dma_start3A_432 = arith.constant 0 : i32
      %dma_start3A_433 = tpu.memref_slice %arg6[%run_scoped3A, %run_scoped3A_369, %dma_start3A_432] : memref<2x32x1024xf32, #tpu.memory_space<vmem>> -> memref<1x1x16xf32, #tpu.memory_space<vmem>>
      %dma_start3A_434 = tpu.memref_squeeze %dma_start3A_433 : memref<1x1x16xf32, #tpu.memory_space<vmem>> -> memref<16xf32, #tpu.memory_space<vmem>>
      tpu.enqueue_dma source(%arg3 : memref<16xf32, #tpu.memory_space<hbm>>) target(%dma_start3A_434 : memref<16xf32, #tpu.memory_space<vmem>>) target_semaphore(%run_scoped3A_428 : memref<!tpu.dma_semaphore, #tpu.memory_space<semaphore_mem>>)
      %dma_wait3A_435 = arith.constant 0 : i32
      %dma_wait3A_436 = tpu.memref_slice %arg6[%run_scoped3A, %run_scoped3A_369, %dma_wait3A_435] : memref<2x32x1024xf32, #tpu.memory_space<vmem>> -> memref<1x1x16xf32, #tpu.memory_space<vmem>>
      %dma_wait3A_437 = tpu.memref_squeeze %dma_wait3A_436 : memref<1x1x16xf32, #tpu.memory_space<vmem>> -> memref<16xf32, #tpu.memory_space<vmem>>
      %dma_wait3A_438 = arith.constant 0 : i32
      %dma_wait3A_439 = tpu.memref_slice %arg6[%run_scoped3A, %run_scoped3A_369, %dma_wait3A_438] : memref<2x32x1024xf32, #tpu.memory_space<vmem>> -> memref<1x1x16xf32, #tpu.memory_space<vmem>>
      %dma_wait3A_440 = tpu.memref_squeeze %dma_wait3A_439 : memref<1x1x16xf32, #tpu.memory_space<vmem>> -> memref<16xf32, #tpu.memory_space<vmem>>
      tpu.wait_dma2 semaphore(%run_scoped3A_428 : memref<!tpu.dma_semaphore, #tpu.memory_space<semaphore_mem>>) src(%arg3 : memref<16xf32, #tpu.memory_space<hbm>>) dst(%dma_wait3A_440 : memref<16xf32, #tpu.memory_space<vmem>>)
      tpu.yield
    }) : () -> ()
    %get3A = arith.constant 0 : i32
    %get3A_370 = arith.constant 0 : i32
    %get3A_371 = arith.index_cast %get3A : i32 to index
    %get3A_372 = arith.index_cast %get3A_370 : i32 to index
    %get3A_373 = arith.constant 0 : index
    %get3A_374 = tpu.vector_load %arg6[%get3A_371, %get3A_372, %get3A_373] {strides = array<i32>} : memref<2x32x1024xf32, #tpu.memory_space<vmem>>, vector<1x1x16xf32>,
    %get3A_375 = vector.shape_cast %get3A_374 : vector<1x1x16xf32> to vector<16xf32>
    %slice3A = vector.extract_strided_slice %get3A_375 {offsets = [0], sizes = [1], strides = [1]} : vector<16xf32> to vector<1xf32>
    %squeeze3A = vector.extract %slice3A[0] : f32 from vector<1xf32>
    %convert_element_type3A = arith.fptosi %squeeze3A : f32 to i32
    %sub3A = arith.constant 1 : i32
    %sub3A_376 = arith.subi %convert_element_type3A, %sub3A : i32
    %max3A = arith.constant 0 : i32
    %max3A_377 = arith.maxsi %sub3A_376, %max3A : i32
    %add3A_378 = arith.constant 256 : i32
    %add3A_379 = arith.addi %mul3A_2, %add3A_378 : i32
    %max3A_380 = arith.maxsi %mul3A_2, %convert_element_type3A : i32
    %jit3A = arith.constant 16 : i32
    %eq3A = arith.constant 0 : i32
    %eq3A_381 = arith.cmpi eq, %jit3A, %eq3A : i32
    %jit3A_382 = arith.constant 1 : i32
    %select_n3A = arith.select %eq3A_381, %jit3A_382, %jit3A : i32
    %rem3A = arith.remsi %max3A_380, %select_n3A : i32
    %ne3A = arith.constant 0 : i32
    %ne3A_383 = arith.cmpi ne, %rem3A, %ne3A : i32
    %lt3A = arith.constant 0 : i32
    %lt3A_384 = arith.cmpi slt, %rem3A, %lt3A : i32
    %lt3A_385 = arith.constant 0 : i32
    %lt3A_386 = arith.cmpi slt, %select_n3A, %lt3A_385 : i32
    %ne3A_387 = arith.xori %lt3A_384, %lt3A_386 : i1
    %and3A = arith.andi %ne3A_387, %ne3A_383 : i1
    %add3A_388 = arith.addi %rem3A, %select_n3A : i32
    %select_n3A_389 = arith.select %and3A, %add3A_388, %rem3A : i32
    %sub3A_390 = arith.subi %max3A_380, %select_n3A_389 : i32
    %sub3A_391 = arith.constant 16 : i32
    %sub3A_392 = arith.subi %add3A_379, %sub3A_391 : i32
    %min3A = arith.minsi %sub3A_390, %sub3A_392 : i32
    %lt3A_393 = arith.cmpi slt, %max3A_380, %add3A_379 : i32
    %sub3A_394 = arith.subi %add3A_379, %min3A : i32
    %jit3A_395 = arith.constant 16 : i32
    %div3A = arith.divsi %sub3A_394, %jit3A_395 : i32
    %sign3A = arith.constant 0 : i32
    %sign3A_396 = arith.cmpi sgt, %sub3A_394, %sign3A : i32
    %sign3A_397 = arith.extui %sign3A_396 : i1 to i32
    %sign3A_398 = arith.constant 0 : i32
    %sign3A_399 = arith.cmpi slt, %sub3A_394, %sign3A_398 : i32
    %sign3A_400 = arith.extui %sign3A_399 : i1 to i32
    %sign3A_401 = arith.subi %sign3A_397, %sign3A_400 : i32
    %sign3A_402 = arith.constant 0 : i32
    %sign3A_403 = arith.cmpi sgt, %jit3A_395, %sign3A_402 : i32
    %sign3A_404 = arith.extui %sign3A_403 : i1 to i32
    %sign3A_405 = arith.constant 0 : i32
    %sign3A_406 = arith.cmpi slt, %jit3A_395, %sign3A_405 : i32
    %sign3A_407 = arith.extui %sign3A_406 : i1 to i32
    %sign3A_408 = arith.subi %sign3A_404, %sign3A_407 : i32
    %ne3A_409 = arith.cmpi ne, %sign3A_401, %sign3A_408 : i32
    %rem3A_410 = arith.remsi %sub3A_394, %jit3A_395 : i32
    %ne3A_411 = arith.constant 0 : i32
    %ne3A_412 = arith.cmpi ne, %rem3A_410, %ne3A_411 : i32
    %and3A_413 = arith.andi %ne3A_409, %ne3A_412 : i1
    %sub3A_414 = arith.constant 1 : i32
    %sub3A_415 = arith.subi %div3A, %sub3A_414 : i32
    %select_n3A_416 = arith.select %and3A_413, %sub3A_415, %div3A : i32
    %jit3A_417 = arith.constant 0 : i32
    %select_n3A_418 = arith.select %lt3A_393, %select_n3A_416, %jit3A_417 : i32
    %while3A = arith.constant 0 : i32
    %while3A_419 = arith.constant 0 : i32
    %while3A_420 = arith.subi %select_n3A_418, %while3A_419 : i32
    %while3A_421 = arith.addi %while3A_419, %while3A_420 : i32
    %while3A_422 = arith.constant 1 : i32
    %while3A_423 = arith.divsi %while3A_420, %while3A_422 : i32
    %while3A_424 = arith.muli %while3A_423, %while3A_422 : i32
    %while3A_425 = arith.addi %while3A_419, %while3A_424 : i32
    %while3A_426 = arith.constant 1 : i32
    scf.for %while3A_428 = %while3A_419 to %while3A_425 step %while3A_426  : i32 {
      %mul3A_429 = arith.constant 16 : i32
      %mul3A_430 = arith.muli %while3A_428, %mul3A_429 : i32
      %add3A_431 = arith.addi %min3A, %mul3A_430 : i32
      %multiple_of3A = tpu.assume_multiple %add3A_431, 16 : i32
      %iota3A = tpu.iota {dimensions = array<i32: 0>} : vector<16xi32>
      %add3A_432 = vector.broadcast %multiple_of3A : i32 to vector<16xi32>
      %add3A_433 = arith.addi %add3A_432, %iota3A : vector<16xi32>
      %min3A_434 = vector.broadcast %max3A_377 : i32 to vector<16xi32>
      %min3A_435 = arith.minsi %add3A_433, %min3A_434 : vector<16xi32>
      %dma_start3A_436 = arith.constant 0 : i32
      %dma_start3A_437 = arith.constant 0 : i32
      %dma_start3A_438 = arith.constant 0 : i32
      %dma_start3A_439 = tpu.memref_slice %arg6[%dma_start3A_436, %dma_start3A_437, %dma_start3A_438] : memref<2x32x1024xf32, #tpu.memory_space<vmem>> -> memref<1x16x1024xf32, #tpu.memory_space<vmem>>
      %dma_start3A_440 = tpu.memref_squeeze %dma_start3A_439 : memref<1x16x1024xf32, #tpu.memory_space<vmem>> -> memref<16x1024xf32, #tpu.memory_space<vmem>>
      %dma_start3A_441 = arith.constant 0 : i32
      %dma_start3A_442 = arith.constant 0 : i32
      %dma_start3A_443 = tpu.memref_slice %arg2[%dma_start3A_441, %dma_start3A_442] : memref<8192x1024xf32, #tpu.memory_space<hbm>> -> memref<8192x1024xf32, #tpu.memory_space<hbm>>
      tpu.enqueue_indirect_dma source(%dma_start3A_443 : memref<8192x1024xf32, #tpu.memory_space<hbm>>) target(%dma_start3A_440 : memref<16x1024xf32, #tpu.memory_space<vmem>>) offsets(%min3A_435 : vector<16xi32>) semaphore(%arg7 : memref<!tpu.dma_semaphore, #tpu.memory_space<semaphore_mem>>)
      %dma_wait3A_444 = arith.constant 0 : i32
      %dma_wait3A_445 = arith.constant 0 : i32
      %dma_wait3A_446 = arith.constant 0 : i32
      %dma_wait3A_447 = tpu.memref_slice %arg6[%dma_wait3A_444, %dma_wait3A_445, %dma_wait3A_446] : memref<2x32x1024xf32, #tpu.memory_space<vmem>> -> memref<1x16x1024xf32, #tpu.memory_space<vmem>>
      %dma_wait3A_448 = tpu.memref_squeeze %dma_wait3A_447 : memref<1x16x1024xf32, #tpu.memory_space<vmem>> -> memref<16x1024xf32, #tpu.memory_space<vmem>>
      %dma_wait3A_449 = arith.constant 0 : i32
      %dma_wait3A_450 = arith.constant 0 : i32
      %dma_wait3A_451 = tpu.memref_slice %arg2[%dma_wait3A_449, %dma_wait3A_450] : memref<8192x1024xf32, #tpu.memory_space<hbm>> -> memref<8192x1024xf32, #tpu.memory_space<hbm>>
      tpu.wait_indirect_dma semaphore(%arg7 : memref<!tpu.dma_semaphore, #tpu.memory_space<semaphore_mem>>) src(%dma_wait3A_451 : memref<8192x1024xf32, #tpu.memory_space<hbm>>) dst(%dma_wait3A_448 : memref<16x1024xf32, #tpu.memory_space<vmem>>)
      %run_scoped3A_452 = arith.constant 0 : i32
      "tpu.region"() ({
        %run_scoped3A_453 = tpu.sem_alloc : memref<!tpu.dma_semaphore, #tpu.memory_space<semaphore_mem>>
        %dma_start3A_454 = arith.constant 0 : i32
        %dma_start3A_455 = arith.constant 0 : i32
        %dma_start3A_456 = tpu.memref_slice %arg6[%run_scoped3A_452, %dma_start3A_454, %dma_start3A_455] : memref<2x32x1024xf32, #tpu.memory_space<vmem>> -> memref<1x16x1024xf32, #tpu.memory_space<vmem>>
        %dma_start3A_457 = tpu.memref_squeeze %dma_start3A_456 : memref<1x16x1024xf32, #tpu.memory_space<vmem>> -> memref<16x1024xf32, #tpu.memory_space<vmem>>
        %dma_start3A_458 = arith.constant 0 : i32
        %dma_start3A_459 = tpu.memref_slice %arg4[%multiple_of3A, %dma_start3A_458] : memref<8192x1024xf32, #tpu.memory_space<hbm>> -> memref<16x1024xf32, #tpu.memory_space<hbm>>
        %dma_start3A_460 = arith.constant 0 : i32
        %dma_start3A_461 = tpu.memref_slice %arg4[%multiple_of3A, %dma_start3A_460] : memref<8192x1024xf32, #tpu.memory_space<hbm>> -> memref<16x1024xf32, #tpu.memory_space<hbm>>
        %dma_start3A_462 = arith.constant 0 : i32
        %dma_start3A_463 = arith.constant 0 : i32
        %dma_start3A_464 = tpu.memref_slice %arg6[%run_scoped3A_452, %dma_start3A_462, %dma_start3A_463] : memref<2x32x1024xf32, #tpu.memory_space<vmem>> -> memref<1x16x1024xf32, #tpu.memory_space<vmem>>
        %dma_start3A_465 = tpu.memref_squeeze %dma_start3A_464 : memref<1x16x1024xf32, #tpu.memory_space<vmem>> -> memref<16x1024xf32, #tpu.memory_space<vmem>>
        tpu.enqueue_dma source(%dma_start3A_465 : memref<16x1024xf32, #tpu.memory_space<vmem>>) target(%dma_start3A_461 : memref<16x1024xf32, #tpu.memory_space<hbm>>) target_semaphore(%run_scoped3A_453 : memref<!tpu.dma_semaphore, #tpu.memory_space<semaphore_mem>>)
        %dma_wait3A_466 = arith.constant 0 : i32
        %dma_wait3A_467 = arith.constant 0 : i32
        %dma_wait3A_468 = tpu.memref_slice %arg6[%run_scoped3A_452, %dma_wait3A_466, %dma_wait3A_467] : memref<2x32x1024xf32, #tpu.memory_space<vmem>> -> memref<1x16x1024xf32, #tpu.memory_space<vmem>>
        %dma_wait3A_469 = tpu.memref_squeeze %dma_wait3A_468 : memref<1x16x1024xf32, #tpu.memory_space<vmem>> -> memref<16x1024xf32, #tpu.memory_space<vmem>>
        %dma_wait3A_470 = arith.constant 0 : i32
        %dma_wait3A_471 = tpu.memref_slice %arg4[%multiple_of3A, %dma_wait3A_470] : memref<8192x1024xf32, #tpu.memory_space<hbm>> -> memref<16x1024xf32, #tpu.memory_space<hbm>>
        %dma_wait3A_472 = arith.constant 0 : i32
        %dma_wait3A_473 = tpu.memref_slice %arg4[%multiple_of3A, %dma_wait3A_472] : memref<8192x1024xf32, #tpu.memory_space<hbm>> -> memref<16x1024xf32, #tpu.memory_space<hbm>>
        %dma_wait3A_474 = arith.constant 0 : i32
        %dma_wait3A_475 = arith.constant 0 : i32
        %dma_wait3A_476 = tpu.memref_slice %arg6[%run_scoped3A_452, %dma_wait3A_474, %dma_wait3A_475] : memref<2x32x1024xf32, #tpu.memory_space<vmem>> -> memref<1x16x1024xf32, #tpu.memory_space<vmem>>
        %dma_wait3A_477 = tpu.memref_squeeze %dma_wait3A_476 : memref<1x16x1024xf32, #tpu.memory_space<vmem>> -> memref<16x1024xf32, #tpu.memory_space<vmem>>
        tpu.wait_dma2 semaphore(%run_scoped3A_453 : memref<!tpu.dma_semaphore, #tpu.memory_space<semaphore_mem>>) src(%dma_wait3A_477 : memref<16x1024xf32, #tpu.memory_space<vmem>>) dst(%dma_wait3A_473 : memref<16x1024xf32, #tpu.memory_space<hbm>>)
        tpu.yield
      }) : () -> ()
    }
    %while3A_427 = arith.constant 1 : i32
    scf.for %while3A_428 = %while3A_425 to %while3A_421 step %while3A_427  : i32 {
      %mul3A_429 = arith.constant 16 : i32
      %mul3A_430 = arith.muli %while3A_428, %mul3A_429 : i32
      %add3A_431 = arith.addi %min3A, %mul3A_430 : i32
      %multiple_of3A = tpu.assume_multiple %add3A_431, 16 : i32
      %iota3A = tpu.iota {dimensions = array<i32: 0>} : vector<16xi32>
      %add3A_432 = vector.broadcast %multiple_of3A : i32 to vector<16xi32>
      %add3A_433 = arith.addi %add3A_432, %iota3A : vector<16xi32>
      %min3A_434 = vector.broadcast %max3A_377 : i32 to vector<16xi32>
      %min3A_435 = arith.minsi %add3A_433, %min3A_434 : vector<16xi32>
      %dma_start3A_436 = arith.constant 0 : i32
      %dma_start3A_437 = arith.constant 0 : i32
      %dma_start3A_438 = arith.constant 0 : i32
      %dma_start3A_439 = tpu.memref_slice %arg6[%dma_start3A_436, %dma_start3A_437, %dma_start3A_438] : memref<2x32x1024xf32, #tpu.memory_space<vmem>> -> memref<1x16x1024xf32, #tpu.memory_space<vmem>>
      %dma_start3A_440 = tpu.memref_squeeze %dma_start3A_439 : memref<1x16x1024xf32, #tpu.memory_space<vmem>> -> memref<16x1024xf32, #tpu.memory_space<vmem>>
      %dma_start3A_441 = arith.constant 0 : i32
      %dma_start3A_442 = arith.constant 0 : i32
      %dma_start3A_443 = tpu.memref_slice %arg2[%dma_start3A_441, %dma_start3A_442] : memref<8192x1024xf32, #tpu.memory_space<hbm>> -> memref<8192x1024xf32, #tpu.memory_space<hbm>>
      tpu.enqueue_indirect_dma source(%dma_start3A_443 : memref<8192x1024xf32, #tpu.memory_space<hbm>>) target(%dma_start3A_440 : memref<16x1024xf32, #tpu.memory_space<vmem>>) offsets(%min3A_435 : vector<16xi32>) semaphore(%arg7 : memref<!tpu.dma_semaphore, #tpu.memory_space<semaphore_mem>>)
      %dma_wait3A_444 = arith.constant 0 : i32
      %dma_wait3A_445 = arith.constant 0 : i32
      %dma_wait3A_446 = arith.constant 0 : i32
      %dma_wait3A_447 = tpu.memref_slice %arg6[%dma_wait3A_444, %dma_wait3A_445, %dma_wait3A_446] : memref<2x32x1024xf32, #tpu.memory_space<vmem>> -> memref<1x16x1024xf32, #tpu.memory_space<vmem>>
      %dma_wait3A_448 = tpu.memref_squeeze %dma_wait3A_447 : memref<1x16x1024xf32, #tpu.memory_space<vmem>> -> memref<16x1024xf32, #tpu.memory_space<vmem>>
      %dma_wait3A_449 = arith.constant 0 : i32
      %dma_wait3A_450 = arith.constant 0 : i32
      %dma_wait3A_451 = tpu.memref_slice %arg2[%dma_wait3A_449, %dma_wait3A_450] : memref<8192x1024xf32, #tpu.memory_space<hbm>> -> memref<8192x1024xf32, #tpu.memory_space<hbm>>
      tpu.wait_indirect_dma semaphore(%arg7 : memref<!tpu.dma_semaphore, #tpu.memory_space<semaphore_mem>>) src(%dma_wait3A_451 : memref<8192x1024xf32, #tpu.memory_space<hbm>>) dst(%dma_wait3A_448 : memref<16x1024xf32, #tpu.memory_space<vmem>>)
      %run_scoped3A_452 = arith.constant 0 : i32
      "tpu.region"() ({
        %run_scoped3A_453 = tpu.sem_alloc : memref<!tpu.dma_semaphore, #tpu.memory_space<semaphore_mem>>
        %dma_start3A_454 = arith.constant 0 : i32
        %dma_start3A_455 = arith.constant 0 : i32
        %dma_start3A_456 = tpu.memref_slice %arg6[%run_scoped3A_452, %dma_start3A_454, %dma_start3A_455] : memref<2x32x1024xf32, #tpu.memory_space<vmem>> -> memref<1x16x1024xf32, #tpu.memory_space<vmem>>
        %dma_start3A_457 = tpu.memref_squeeze %dma_start3A_456 : memref<1x16x1024xf32, #tpu.memory_space<vmem>> -> memref<16x1024xf32, #tpu.memory_space<vmem>>
        %dma_start3A_458 = arith.constant 0 : i32
        %dma_start3A_459 = tpu.memref_slice %arg4[%multiple_of3A, %dma_start3A_458] : memref<8192x1024xf32, #tpu.memory_space<hbm>> -> memref<16x1024xf32, #tpu.memory_space<hbm>>
        %dma_start3A_460 = arith.constant 0 : i32
        %dma_start3A_461 = tpu.memref_slice %arg4[%multiple_of3A, %dma_start3A_460] : memref<8192x1024xf32, #tpu.memory_space<hbm>> -> memref<16x1024xf32, #tpu.memory_space<hbm>>
        %dma_start3A_462 = arith.constant 0 : i32
        %dma_start3A_463 = arith.constant 0 : i32
        %dma_start3A_464 = tpu.memref_slice %arg6[%run_scoped3A_452, %dma_start3A_462, %dma_start3A_463] : memref<2x32x1024xf32, #tpu.memory_space<vmem>> -> memref<1x16x1024xf32, #tpu.memory_space<vmem>>
        %dma_start3A_465 = tpu.memref_squeeze %dma_start3A_464 : memref<1x16x1024xf32, #tpu.memory_space<vmem>> -> memref<16x1024xf32, #tpu.memory_space<vmem>>
        tpu.enqueue_dma source(%dma_start3A_465 : memref<16x1024xf32, #tpu.memory_space<vmem>>) target(%dma_start3A_461 : memref<16x1024xf32, #tpu.memory_space<hbm>>) target_semaphore(%run_scoped3A_453 : memref<!tpu.dma_semaphore, #tpu.memory_space<semaphore_mem>>)
        %dma_wait3A_466 = arith.constant 0 : i32
        %dma_wait3A_467 = arith.constant 0 : i32
        %dma_wait3A_468 = tpu.memref_slice %arg6[%run_scoped3A_452, %dma_wait3A_466, %dma_wait3A_467] : memref<2x32x1024xf32, #tpu.memory_space<vmem>> -> memref<1x16x1024xf32, #tpu.memory_space<vmem>>
        %dma_wait3A_469 = tpu.memref_squeeze %dma_wait3A_468 : memref<1x16x1024xf32, #tpu.memory_space<vmem>> -> memref<16x1024xf32, #tpu.memory_space<vmem>>
        %dma_wait3A_470 = arith.constant 0 : i32
        %dma_wait3A_471 = tpu.memref_slice %arg4[%multiple_of3A, %dma_wait3A_470] : memref<8192x1024xf32, #tpu.memory_space<hbm>> -> memref<16x1024xf32, #tpu.memory_space<hbm>>
        %dma_wait3A_472 = arith.constant 0 : i32
        %dma_wait3A_473 = tpu.memref_slice %arg4[%multiple_of3A, %dma_wait3A_472] : memref<8192x1024xf32, #tpu.memory_space<hbm>> -> memref<16x1024xf32, #tpu.memory_space<hbm>>
        %dma_wait3A_474 = arith.constant 0 : i32
        %dma_wait3A_475 = arith.constant 0 : i32
        %dma_wait3A_476 = tpu.memref_slice %arg6[%run_scoped3A_452, %dma_wait3A_474, %dma_wait3A_475] : memref<2x32x1024xf32, #tpu.memory_space<vmem>> -> memref<1x16x1024xf32, #tpu.memory_space<vmem>>
        %dma_wait3A_477 = tpu.memref_squeeze %dma_wait3A_476 : memref<1x16x1024xf32, #tpu.memory_space<vmem>> -> memref<16x1024xf32, #tpu.memory_space<vmem>>
        tpu.wait_dma2 semaphore(%run_scoped3A_453 : memref<!tpu.dma_semaphore, #tpu.memory_space<semaphore_mem>>) src(%dma_wait3A_477 : memref<16x1024xf32, #tpu.memory_space<vmem>>) dst(%dma_wait3A_473 : memref<16x1024xf32, #tpu.memory_space<hbm>>)
        tpu.yield
      }) : () -> ()
    }
    return
  }
}

</mosaic_0001>

<sc_bundles>
// kernel: kernel.3.cloned.1.call-start
scs
__scs_entry_jumppad:
0x0: {  	(pc) =	sbr.rel $0x88, $3  }
0x1: {  	(tag) =	ssettag $0x0;
	lr =	simm.s32 $0x1  }
0x2: {  	[smem:$0x3F9F] =	sst lr;
	_ =	strace $0xD0000000  }
0x3: {  	_ = 	snop  }
0x4: {  	_ = 	snop  }
0x5: {  	_ = 	snop  }
0x6: {  	_ = 	snop  }
0x7: {  	_ = 	snop  }
__scs_overlays_trampoline_lowered:
0x8: {  	[smem:$0x3FAE] =	sst s0  }
0x9: {  	[smem:$0x3FAF] =	sst s1  }
0xa: {  	[smem:$0x3FB0] =	sst s2  }
0xb: {  	[smem:$0x3FB1] =	sst s3  }
0xc: {  	[smem:$0x3FB2] =	sst s4  }
0xd: {  	[smem:$0x3FB3] =	sst s5  }
0xe: {  	[smem:$0x3FB4] =	sst s6  }
0xf: {  	[smem:$0x3FB5] =	sst s7  }
0x10: {  	[smem:$0x3FB6] =	sst s8  }
0x11: {  	[smem:$0x3FB7] =	sst s9;
	s0 =	simm.s32 @!p0 $0x0  }
0x12: {  	s1 =	sld [smem:$0x3F9D];
	s0 =	simm.s32 @p0 $0x1  }
0x13: {  	[smem:$0x3FB8] =	sst s0;
	s0 =	simm.s32 @!p1 $0x0  }
0x14: {  	s2 =	sld [smem:$0x3F9C];
	s0 =	simm.s32 @p1 $0x1  }
0x15: {  	[smem:$0x3FB9] =	sst s0;
	s0 =	simm.s32 @!p2 $0x0  }
0x16: {  	s3 =	sld [smem:$0x3FDB];
	s0 =	simm.s32 @p2 $0x1  }
0x17: {  	s4 =	simm.s32 $0x1BF5;
	[smem:$0x3FBB] =	sst s0  }
0x18: {  	s0 =	sld [smem:$0x3F9E];
	_ =	swait.ge [sflag:s4], $0x0  }
0x19: {  	s7 =	sld [smem:$0x3F9F]  }
0x1a: {  	s8 =	sadd.s32 $0xFFFFE003, lr  }
0x1b: {  	s9 =	sadd.s32 $0xFFFFFEF7, lr;
	s5 =	simm.s32 $0xFFFFFFFF;
	p2 =	slt.u32 s8, $0xFFFFF086  }
0x1c: {  	p1 =	slt.u32 s9, $0xF7A;
	s5 =	simm.s32 @!p2 $0x0  }
0x1d: {  	s5 =	simm.s32 @p1 $0x1;
	p0 =	seq.s32 s7, s2  }
0x1e: {  	s7 =	smul.u32 @!p0 $0xF7A, s2;
	p2 =	seq.s32 @!p0 s5, $0x0  }
0x1f: {  	s9 =	smul.u32 $0xF7A, s1;
	s8 =	simm.s32 @!p0 $0x1BF5;
	p2 =	por !p2, p0  }
0x20: {  	[sflag:s8] =	ssyncset.s32 @!p0 $0xFFFFF086;
	s6 =	sadd.s32 @!p0 s3, s7;
	s7 =	simm.s32 @!p0 $0x108  }
0x21: {  	s3 =	sadd.s32 s3, s9;
	s6 =	sadd.s32 @!p0 $0x88, s6;
	s7 =	simm.s32 @p2 $0x1082  }
0x22: {  	[simem:s7], [sflag:s8] =	dma.local @!p0 [hbm:s6], $0xF7A  }
0x23: {  	s9 =	sor.u32 $0xD0000000, s2;
	s6 =	simm.s32 $0x108;
	_ =	swait.ge @!p0 [sflag:s8], $0x0  }
0x24: {  	s3 =	sadd.s32 $0x88, s3;
	s6 =	simm.s32 @!p1 $0x1082;
	[sflag:s4] =	ssyncset.s32 $0xFFFFF086  }
0x25: {  	[simem:s6], [sflag:s4] =	dma.local [hbm:s3], $0xF7A  }
0x26: {  	[smem:$0x3F9F] =	sst s1;
	(tag) =	ssettag s2;
	_ =	strace s9  }
0x27: {  	s1 =	sld [smem:$0x3FAF]  }
0x28: {  	s2 =	sld [smem:$0x3FB0]  }
0x29: {  	s4 =	sld [smem:$0x3FB2]  }
0x2a: {  	p0 =	seq.s32 s5, $0x0;
	s5 =	sld [smem:$0x3FB3]  }
0x2b: {  	s6 =	sld [smem:$0x3FB4]  }
0x2c: {  	s7 =	sld [smem:$0x3FB5]  }
0x2d: {  	s3 =	simm.s32 $0x108;
	s8 =	sld [smem:$0x3FB6]  }
0x2e: {  	s3 =	simm.s32 @!p0 $0x1082;
	s9 =	sld [smem:$0x3FB7]  }
0x2f: {  	lr =	sadd.s32 s0, s3;
	s0 =	sld [smem:$0x3FAE]  }
0x30: {  	s3 =	sld [smem:$0x3FB1]  }
0x31: {  	[smem:$0x3FBA] =	sst s10  }
0x32: {  	s10 =	sld [smem:$0x3FB8];
	_ =	sdelay $0x3  }
0x33: {  	p0 =	seq.s32 s10, $0x1;
	s10 =	sld [smem:$0x3FBA];
	_ =	sdelay $0x3  }
0x34: {  	[smem:$0x3FBA] =	sst s10  }
0x35: {  	s10 =	sld [smem:$0x3FB9];
	_ =	sdelay $0x3  }
0x36: {  	p1 =	seq.s32 s10, $0x1;
	s10 =	sld [smem:$0x3FBA];
	_ =	sdelay $0x3  }
0x37: {  	[smem:$0x3FBA] =	sst s10  }
0x38: {  	s10 =	sld [smem:$0x3FBB]  }
0x39: {  	_ = 	snop;
	(pc) =	sbr.ind lr, $3  }
0x3a: {  	_ = 	snop  }
0x3b: {  	_ = 	snop  }
0x3c: {  	p2 =	seq.s32 s10, $0x1;
	s10 =	sld [smem:$0x3FBA]  }
0x3d: {  	_ =	shalt  }
0x3e: {  	_ =	shalt  }
0x3f: {  	_ =	shalt  }
0x40: {  	_ =	shalt  }
0x41: {  	_ =	shalt  }
0x42: {  	_ =	shalt  }
0x43: {  	_ =	shalt  }
0x44: {  	_ =	shalt  }
0x45: {  	_ =	shalt  }
0x46: {  	_ =	shalt  }
0x47: {  	_ =	shalt  }
0x48: {  	_ =	shalt  }
0x49: {  	_ =	shalt  }
0x4a: {  	_ =	shalt  }
0x4b: {  	_ =	shalt  }
0x4c: {  	_ =	shalt  }
0x4d: {  	_ =	shalt  }
0x4e: {  	_ =	shalt  }
0x4f: {  	_ =	shalt  }
0x50: {  	_ =	shalt  }
0x51: {  	_ =	shalt  }
0x52: {  	_ =	shalt  }
0x53: {  	_ =	shalt  }
0x54: {  	_ =	shalt  }
0x55: {  	_ =	shalt  }
0x56: {  	_ =	shalt  }
0x57: {  	_ =	shalt  }
0x58: {  	_ =	shalt  }
0x59: {  	_ =	shalt  }
0x5a: {  	_ =	shalt  }
0x5b: {  	_ =	shalt  }
0x5c: {  	_ =	shalt  }
0x5d: {  	_ =	shalt  }
0x5e: {  	_ =	shalt  }
0x5f: {  	_ =	shalt  }
0x60: {  	_ =	shalt  }
0x61: {  	_ =	shalt  }
0x62: {  	_ =	shalt  }
0x63: {  	_ =	shalt  }
0x64: {  	_ =	shalt  }
0x65: {  	_ =	shalt  }
0x66: {  	_ =	shalt  }
0x67: {  	_ =	shalt  }
0x68: {  	_ =	shalt  }
0x69: {  	_ =	shalt  }
0x6a: {  	_ =	shalt  }
0x6b: {  	_ =	shalt  }
0x6c: {  	_ =	shalt  }
0x6d: {  	_ =	shalt  }
0x6e: {  	_ =	shalt  }
0x6f: {  	_ =	shalt  }
0x70: {  	_ =	shalt  }
0x71: {  	_ =	shalt  }
0x72: {  	_ =	shalt  }
0x73: {  	_ =	shalt  }
0x74: {  	_ =	shalt  }
0x75: {  	_ =	shalt  }
0x76: {  	_ =	shalt  }
0x77: {  	_ =	shalt  }
0x78: {  	_ =	shalt  }
0x79: {  	_ =	shalt  }
0x7a: {  	_ =	shalt  }
0x7b: {  	_ =	shalt  }
0x7c: {  	_ =	shalt  }
0x7d: {  	_ =	shalt  }
0x7e: {  	_ =	shalt  }
0x7f: {  	_ =	shalt  }
0x80: {  	_ =	shalt  }
0x81: {  	_ =	shalt  }
0x82: {  	_ =	shalt  }
0x83: {  	_ =	shalt  }
0x84: {  	_ =	shalt  }
0x85: {  	_ =	shalt  }
0x86: {  	_ =	shalt  }
0x87: {  	_ =	shalt  }
.Lfunc_end0:
.L_simem_size_0:
called_computation_lowered:
.L_overlay_start_0:
0x88: {  	s2 =	sld [smem:$0x3FD9]  }
0x89: {  	s3 =	sld [smem:$0x3FFE];
	_ =	sdelay $0x1  }
0x8a: {  	s1 =	srdreg.scid  }
0x8b: {  	s0 =	sand.u32 $0x1, s1  }
0x8c: {  	s17 =	sshll.u32 s0, $0xA;
	s2 =	sadd.s32 s3, s2  }
0x8d: {  	s2 =	sadd.s32 s2, s17  }
0x8e: {  	[smem:$0x3FC6] =	sst s2  }
0x8f: {  	_ = 	snop  }
0x90: {  	s2 =	sld [smem:$0x3FC8]  }
0x91: {  	s18 =	sld [smem:$0x3FD0];
	(tm) =	ssettm $0x1  }
0x92: {  	s4 =	sld [smem:$0x3FFB];
	_ =	sdelay $0x3  }
0x93: {  	_ =	strace s4  }
0x94: {  	s4 =	sld [smem:$0x3FFC];
	_ =	sdelay $0x3  }
0x95: {  	_ =	strace s4  }
0x96: {  	s4 =	sld [smem:$0x3FFD];
	_ =	sdelay $0x3  }
0x97: {  	_ =	strace s4  }
0x98: {  	_ =	strace $0x8FFFFFFF  }
0x99: {  	s19 =	sld [smem:$0x3FDB];
	_ =	sdelay $0x1  }
0x9a: {  	s5 =	simm.s32 $_scs_section_size  }
0x9b: {  	s6 =	simm.s32 $_size__tile_overlayer_lowered;
	s7 =	simm.s32 $_tile_overlayer_lowered  }
0x9c: {  	s22 =	simm.s32 $0x1BFF;
	s21 =	sshll.u32 s7, $0x1;
	s4 =	sadd.s32 s5, s19  }
0x9d: {  	s8 =	simm.s32 $0x0;
	s20 =	sshll.u32 s6, $0x1;
	s6 =	sadd.s32 s21, s4  }
0x9e: {  	[timem:s8], [sflag:s22] =	dma.local [hbm:s6], s20  }
0x9f: {  	_ =	swait.ge [sflag:s22], s20  }
0xa0: {  	s5 =	ssub.s32 $0x0, s20;
	[sflag:s22] =	ssyncset.done $0x0  }
0xa1: {  	[sflag:s22] =	ssyncadd.s32 s5;
	_ =	sdelay $0x1  }
0xa2: {  	s23 =	simm.s32 $0x1B8B  }
0xa3: {  	_ =	swait.ge [sflag:s23], $0x1  }
0xa4: {  	[sflag:s23] =	ssyncset.done $0x0  }
0xa5: {  	s25 =	simm.s32 $0x1B8E;
	s24 =	sld [smem:$0x3FFE];
	[sflag:s23] =	ssyncadd.s32 $0xFFFFFFFF  }
0xa6: {  	s26 =	simm.s32 $execute0_lowered;
	[smem:$0x3FD2] =	sst s25  }
0xa7: {  	s6 =	sshll.u32 s26, $0x1;
	_ =	strace $0x80000046;
	[dreg:$0x1] =	wrdreg $0xFFFFFFFF  }
0xa8: {  	s28 =	simm.s32 $_size_execute0_lowered;
	s4 =	sadd.s32 s4, s6;
	[dreg:$0x0] =	wrdreg $0x0  }
0xa9: {  	s6 =	sshll.u32 s28, $0x1;
	[dreg:$0x2] =	wrdreg s4  }
0xaa: {  	[dreg:$0x3] =	wrdreg s6  }
0xab: {  	[dreg:$0x4] =	wrdreg $0xC0  }
0xac: {  	_ =	task [dreg:s8], $0x5FFFF  }
0xad: {  	[dreg:$0x1] =	wrdreg $0xFFFFFFFF  }
0xae: {  	[dreg:$0x0] =	wrdreg $0x60  }
0xaf: {  	[dreg:$0x2] =	wrdreg s2  }
0xb0: {  	[dreg:$0x3] =	wrdreg s24  }
0xb1: {  	[dreg:$0x4] =	wrdreg s18  }
0xb2: {  	[dreg:$0x5] =	wrdreg $0x0  }
0xb3: {  	[dreg:$0x6] =	wrdreg $0x9  }
0xb4: {  	_ =	task.clear_ibuf [dreg:s8], $0x7FFFF;
	_ =	strace $0x90000046  }
0xb5: {  	s29 =	simm.s32 $0x9;
	_ =	strace $0x80000048  }
0xb6: {  	_ =	swait.ge [sflag:s29], $0x1  }
0xb7: {  	[sflag:s29] =	ssyncadd.s32 $0xFFFFFFFF  }
0xb8: {  	_ =	strace $0x90000048  }
0xb9: {  	_ =	sfence  }
0xba: {  	s30 =	sld [smem:$0x0];
	_ =	sdelay $0x2  }
0xbb: {  	s31 =	sshll.u32 s1, $0xD;
	s1 =	sshrl.u32 s1, $0x2  }
0xbc: {  	s3 =	sand.u32 $0x4000, s31;
	s1 =	sadd.s32 s1, s30  }
0xbd: {  	s0 =	sor.u32 s3, s0;
	s1 =	sshll.u32 s1, $0x11  }
0xbe: {  	s0 =	sor.u32 s1, s0  }
0xbf: {  	s0 =	sadd.s32 $0x8F2B, s0  }
0xc0: {  	[sflag:s0] =	ssyncadd.remote.s32 $0x1  }
0xc1: {  	_ =	sfence.sel $0xFFFF  }
0xc2: {  	[dreg:$0x0] =	wrdreg $0xFFFFFFFF;
	(pc) =	sbr.abs _section_cstart, $3  }
0xc3: {  	[dreg:$0x1] =	wrdreg $0xFFFFFFFF  }
0xc4: {  	_ =	task.clear_ibuf [dreg:s8], $0x2FFFF;
	_ =	strace $0x9FFFFFFF  }
0xc5: {  	(tm) =	ssettm $0x7FFFFFFF  }
tec
execute0_lowered:
.L_overlay_start_1:
0x0: {  	(tag) =	ssettag $0x1  }
0x1: {  	s1 =	rddreg [dreg:$0x0]  }
0x2: {  	s0 =	rddreg [dreg:$0x1]  }
0x3: {  	s8 =	rddreg [dreg:$0x2]  }
0x4: {  	s2 =	rddreg [dreg:$0x3]  }
0x5: {  	s3 =	srdreg.scid;
	s4 =	simm.s32 $0x0;
	s9 =	stileid.u32  }
0x6: {  	s3 =	sand.u32 $0x1, s3;
	[smem:$0x7FF] =	sst s4;
	s5 =	sshll.u32 s9, $0x9  }
0x7: {  	s0 =	sadd.s32 $0x400, s0;
	s12 =	sshll.u32 s9, $0x10;
	s31 =	sadd.s32 $0x100, s1  }
0x8: {  	s6 =	sshll.u32 s3, $0x8;
	_ =	strace $0x80000047;
	s3 =	ssub.s32 $0x2, s3  }
0x9: {  	[dreg:$0x5] =	wrdreg s0;
	s2 =	sadd.s32 s12, s2;
	s12 =	simm.s32 $0x5  }
0xa: {  	s5 =	sor.u32 s6, s5;
	s11 =	sshrl.u32 s3, $0x1;
	[dreg:$0x6] =	wrdreg s2  }
0xb: {  	s2 =	sadd.s32 $0x8000, s2;
	s6 =	sshll.u32 s5, $0x7;
	s0 =	ssub.s32 s3, s11  }
0xc: {  	s29 =	sadd.s32 $0x100, s5;
	s30 =	sor.u32 $0xF0, s5;
	s11 =	simm.s32 $0x4  }
0xd: {  	s7 =	sor.u32 $0x4000, s6;
	s13 =	sadd.s32 s1, s6;
	s15 =	sadd.s32 s8, s6  }
0xe: {  	s16 =	sor.u32 $0x1000, s6;
	s17 =	sor.u32 $0x5000, s6;
	[dreg:$0x7] =	wrdreg s13  }
0xf: {  	s19 =	sor.u32 $0x2000, s6;
	s0 =	smax.u32 s0, $0x1;
	[dreg:$0x9] =	wrdreg s15  }
0x10: {  	s21 =	sor.u32 $0x6000, s6;
	s14 =	sadd.s32 s1, s7;
	[dreg:$0x17] =	wrdreg s0  }
0x11: {  	s23 =	sor.u32 $0x3000, s6;
	s10 =	sadd.s32 s1, s16;
	[dreg:$0x8] =	wrdreg s14  }
0x12: {  	s6 =	sor.u32 $0x7000, s6;
	s7 =	sadd.s32 s8, s7;
	[dreg:$0xa] =	wrdreg s10  }
0x13: {  	s18 =	sadd.s32 s1, s17;
	s3 =	sadd.s32 s8, s16;
	[dreg:$0xb] =	wrdreg s7  }
0x14: {  	s20 =	sadd.s32 s1, s19;
	s22 =	sadd.s32 s1, s21;
	[dreg:$0xc] =	wrdreg s18  }
0x15: {  	s24 =	sadd.s32 s1, s23;
	s25 =	sadd.s32 s1, s6;
	[dreg:$0xd] =	wrdreg s3  }
0x16: {  	s26 =	sadd.s32 s8, s6;
	s0 =	sadd.s32 $0x200, s1;
	[dreg:$0xe] =	wrdreg s20  }
0x17: {  	s6 =	simm.s32 $0x1;
	s13 =	simm.s32 $0x10800;
	[dreg:$0x10] =	wrdreg s22  }
0x18: {  	s15 =	simm.s32 $0x12000;
	s16 =	simm.s32 $0x12800;
	[dreg:$0x12] =	wrdreg s24  }
0x19: {  	s7 =	sadd.s32 s8, s17;
	s3 =	sadd.s32 s8, s19;
	[dreg:$0x14] =	wrdreg s25  }
0x1a: {  	[dreg:$0x16] =	wrdreg s26;
	s25 =	sshrl.u32 s2, $0x3;
	s26 =	sshll.u32 s9, $0x6  }
0x1b: {  	s2 =	simm.s32 $0x10000;
	s9 =	simm.s32 $0x18000;
	s10 =	simm.s32 $0x2  }
.Ltmp0:
0x1c: {  	s14 =	simm.s32 $0x11800;
	s17 =	simm.s32 $0x13000;
	(pc) =	sbr.rel .LBB2_1-.Ltmp0, $4  }
0x1d: {  	s18 =	simm.s32 $0x13800;
	s19 =	simm.s32 $0x0;
	[dreg:$0xf] =	wrdreg s7  }
0x1e: {  	v0 =	vlaneseq.u32;
	[dreg:$0x11] =	wrdreg s3;
	s7 =	sadd.s32 s8, s21;
	s3 =	sadd.s32 s8, s23  }
0x1f: {  	vm0 =	vmmov $0xffff;
	v2 =	vshrl.u32 v0, $0x3;
	s28 =	sor.u32 $0x1C01, s26;
	s8 =	simm.s32 $0x3;
	[dreg:$0x13] =	wrdreg s7  }
0x20: {  	v1 =	vand.u32 $0x7, v0;
	v3 =	vor.u32 $0x8, v0;
	v2 =	vmul.u32 $0x8, v2;
	[dreg:$0x15] =	wrdreg s3;
	s3 =	sadd.s32 $0x300, s1;
	s7 =	simm.s32 $0x11000  }
.LBB2_3:
0x21: {  	s21 =	smov.u32 s23  }
.LBB2_7:
0x22: {  	_ =	sdelay $0x2  }
0x23: {  	[sflag:s12] =	ssyncadd.s32 @p0 $0xFFFFC000  }
0x24: {  	[tilespmem:s2], [sflag:$0x1] =	stream.indirect_vreg.gather [hbm4b:s1+s4], $0x80, v5, vm0, $0xb8;
	v63 =	vld [tilespmem:$0x0]  }
0x25: {  	_ = 	snop  }
0x26: {  	[tilespmem:s13], [sflag:$0x1] =	stream.indirect_vreg.gather [hbm4b:s31+s4], $0x80, v5, vm0, $0xb8;
	v63 =	vld [tilespmem:$0x0]  }
0x27: {  	v4 =	vadd.s32 v2, v6  }
0x28: {  	[tilespmem:s7], [sflag:$0x1] =	stream.indirect_vreg.gather [hbm4b:s0+s4], $0x80, v5, vm0, $0xb8;
	v63 =	vld [tilespmem:$0x0]  }
0x29: {  	_ = 	snop  }
0x2a: {  	[tilespmem:s14], [sflag:$0x1] =	stream.indirect_vreg.gather [hbm4b:s3+s4], $0x80, v5, vm0, $0xb8;
	v63 =	vld [tilespmem:$0x0]  }
0x2b: {  	_ = 	snop  }
0x2c: {  	[tilespmem:s15], [sflag:$0x1] =	stream.indirect_vreg.gather [hbm4b:s1+s4], $0x80, v4, vm0, $0xb8;
	v63 =	vld [tilespmem:$0x0]  }
0x2d: {  	_ = 	snop  }
0x2e: {  	[tilespmem:s16], [sflag:$0x1] =	stream.indirect_vreg.gather [hbm4b:s31+s4], $0x80, v4, vm0, $0xb8;
	v63 =	vld [tilespmem:$0x0]  }
0x2f: {  	_ = 	snop  }
0x30: {  	[tilespmem:s17], [sflag:$0x1] =	stream.indirect_vreg.gather [hbm4b:s0+s4], $0x80, v4, vm0, $0xb8;
	v63 =	vld [tilespmem:$0x0]  }
0x31: {  	_ = 	snop  }
0x32: {  	[tilespmem:s18], [sflag:$0x1] =	stream.indirect_vreg.gather [hbm4b:s3+s4], $0x80, v4, vm0, $0xb8;
	v63 =	vld [tilespmem:$0x0]  }
0x33: {  	_ =	swait.ge [sflag:s6], $0x4000  }
0x34: {  	s20 =	sadd.s32 @p0 $0x800, s21;
	[sflag:s6] =	ssyncset.done $0x0  }
0x35: {  	s23 =	smov.u32 @p0 s20;
	[sflag:s6] =	ssyncadd.s32 $0xFFFFC000  }
0x36: {  	[hbm4b:s23+s4] =	stream.linear.scatter [tilespmem:s2], [sflag:$0x5], $0x4000, $0x38;
	v63 =	vld [tilespmem:$0x0]  }
0x37: {  	_ =	swait.ge [sflag:s12], $0x4000  }
0x38: {  	[sflag:s12] =	ssyncset.done $0x0  }
0x39: {  	[sflag:s12] =	ssyncadd.s32 $0xFFFFC000  }
.LBB2_8:
0x3a: {  	s19 =	sadd.s32 $0x1, s19;
	s20 =	rddreg [dreg:$0x17]  }
0x3b: {  	p0 =	sne.s32 s19, s20  }
.Ltmp1:
0x3c: {  	_ = 	snop;
	(pc) =	sbr.rel @!p0 .LBB2_9-.Ltmp1, $1  }
0x3d: {  	_ =	sdelay $0x3  }
.LBB2_1:
0x3e: {  	s20 =	rddreg [dreg:$0x6]  }
0x3f: {  	s21 =	rddreg [dreg:$0x7];
	s20 =	sshrl.u32 s20, $0x3  }
0x40: {  	[spmem:s20], [sflag:s28] =	dma.local [hbm:s21], $0x1000  }
0x41: {  	s21 =	rddreg [dreg:$0x8]  }
0x42: {  	[tilespmem:s2], [sflag:$0x3] =	stream.linear.gather [hbm4b:s21+s4], $0x8000, $0x38;
	v63 =	vld [tilespmem:$0x0]  }
0x43: {  	_ =	swait.ge [sflag:s6], $0x1000  }
0x44: {  	[sflag:s6] =	ssyncset.done $0x0  }
0x45: {  	s21 =	sor.u32 $0x1C02, s26;
	s22 =	rddreg [dreg:$0x9];
	[sflag:s6] =	ssyncadd.s32 $0xFFFFF000  }
0x46: {  	[hbm:s22], [sflag:s21] =	dma.local [spmem:s20], $0x1000  }
0x47: {  	s22 =	rddreg [dreg:$0xa]  }
0x48: {  	[spmem:s25], [sflag:s28] =	dma.local [hbm:s22], $0x1000  }
0x49: {  	_ =	swait.ge [sflag:s8], $0x8000  }
0x4a: {  	[sflag:s8] =	ssyncset.done $0x0  }
0x4b: {  	s23 =	rddreg [dreg:$0xb];
	[sflag:s8] =	ssyncadd.s32 $0xFFFF8000  }
0x4c: {  	[hbm4b:s23+s4] =	stream.linear.scatter [tilespmem:s2], [sflag:$0x4], $0x8000, $0x38;
	v63 =	vld [tilespmem:$0x0]  }
0x4d: {  	s24 =	rddreg [dreg:$0xc]  }
0x4e: {  	[tilespmem:s9], [sflag:$0x3] =	stream.linear.gather [hbm4b:s24+s4], $0x8000, $0x38;
	v63 =	vld [tilespmem:$0x0]  }
0x4f: {  	_ =	swait.ge [sflag:s10], $0x1000  }
0x50: {  	[sflag:s10] =	ssyncset.done $0x0  }
0x51: {  	[sflag:s10] =	ssyncadd.s32 $0xFFFFF000  }
0x52: {  	_ =	swait.ge [sflag:s11], $0x8000  }
0x53: {  	[sflag:s11] =	ssyncset.done $0x0  }
0x54: {  	[sflag:s11] =	ssyncadd.s32 $0xFFFF8000  }
0x55: {  	_ =	swait.ge [sflag:s6], $0x1000  }
0x56: {  	[sflag:s6] =	ssyncset.done $0x0  }
0x57: {  	s23 =	rddreg [dreg:$0xd];
	[sflag:s6] =	ssyncadd.s32 $0xFFFFF000  }
0x58: {  	[hbm:s23], [sflag:s21] =	dma.local [spmem:s25], $0x1000  }
0x59: {  	s22 =	rddreg [dreg:$0xe]  }
0x5a: {  	[spmem:s20], [sflag:s28] =	dma.local [hbm:s22], $0x1000  }
0x5b: {  	_ =	swait.ge [sflag:s8], $0x8000  }
0x5c: {  	[sflag:s8] =	ssyncset.done $0x0  }
0x5d: {  	s24 =	rddreg [dreg:$0xf];
	[sflag:s8] =	ssyncadd.s32 $0xFFFF8000  }
0x5e: {  	[hbm4b:s24+s4] =	stream.linear.scatter [tilespmem:s9], [sflag:$0x4], $0x8000, $0x38;
	v63 =	vld [tilespmem:$0x0]  }
0x5f: {  	s23 =	rddreg [dreg:$0x10]  }
0x60: {  	[tilespmem:s2], [sflag:$0x3] =	stream.linear.gather [hbm4b:s23+s4], $0x8000, $0x38;
	v63 =	vld [tilespmem:$0x0]  }
0x61: {  	_ =	swait.ge [sflag:s10], $0x1000  }
0x62: {  	[sflag:s10] =	ssyncset.done $0x0  }
0x63: {  	[sflag:s10] =	ssyncadd.s32 $0xFFFFF000  }
0x64: {  	_ =	swait.ge [sflag:s11], $0x8000  }
0x65: {  	[sflag:s11] =	ssyncset.done $0x0  }
0x66: {  	[sflag:s11] =	ssyncadd.s32 $0xFFFF8000  }
0x67: {  	_ =	swait.ge [sflag:s6], $0x1000  }
0x68: {  	[sflag:s6] =	ssyncset.done $0x0  }
0x69: {  	s24 =	rddreg [dreg:$0x11];
	[sflag:s6] =	ssyncadd.s32 $0xFFFFF000  }
0x6a: {  	[hbm:s24], [sflag:s21] =	dma.local [spmem:s20], $0x1000  }
0x6b: {  	s20 =	rddreg [dreg:$0x12]  }
0x6c: {  	[spmem:s25], [sflag:s28] =	dma.local [hbm:s20], $0x1000  }
0x6d: {  	_ =	swait.ge [sflag:s8], $0x8000  }
0x6e: {  	[sflag:s8] =	ssyncset.done $0x0  }
0x6f: {  	s22 =	rddreg [dreg:$0x13];
	[sflag:s8] =	ssyncadd.s32 $0xFFFF8000  }
0x70: {  	[hbm4b:s22+s4] =	stream.linear.scatter [tilespmem:s2], [sflag:$0x4], $0x8000, $0x38;
	v63 =	vld [tilespmem:$0x0]  }
0x71: {  	s23 =	rddreg [dreg:$0x14]  }
0x72: {  	[tilespmem:s9], [sflag:$0x3] =	stream.linear.gather [hbm4b:s23+s4], $0x8000, $0x38;
	v63 =	vld [tilespmem:$0x0]  }
0x73: {  	_ =	swait.ge [sflag:s10], $0x1000  }
0x74: {  	[sflag:s10] =	ssyncset.done $0x0  }
0x75: {  	[sflag:s10] =	ssyncadd.s32 $0xFFFFF000  }
0x76: {  	_ =	swait.ge [sflag:s11], $0x8000  }
0x77: {  	[sflag:s11] =	ssyncset.done $0x0  }
0x78: {  	[sflag:s11] =	ssyncadd.s32 $0xFFFF8000  }
0x79: {  	_ =	swait.ge [sflag:s6], $0x1000  }
0x7a: {  	[sflag:s6] =	ssyncset.done $0x0  }
0x7b: {  	s24 =	rddreg [dreg:$0x15];
	[sflag:s6] =	ssyncadd.s32 $0xFFFFF000  }
0x7c: {  	[hbm:s24], [sflag:s21] =	dma.local [spmem:s25], $0x1000  }
0x7d: {  	_ =	swait.ge [sflag:s8], $0x8000  }
0x7e: {  	[sflag:s8] =	ssyncset.done $0x0  }
0x7f: {  	s22 =	rddreg [dreg:$0x16];
	[sflag:s8] =	ssyncadd.s32 $0xFFFF8000  }
0x80: {  	[hbm4b:s22+s4] =	stream.linear.scatter [tilespmem:s9], [sflag:$0x4], $0x8000, $0x38;
	v63 =	vld [tilespmem:$0x0]  }
0x81: {  	_ =	swait.ge [sflag:s10], $0x1000  }
0x82: {  	[sflag:s10] =	ssyncset.done $0x0  }
0x83: {  	[sflag:s10] =	ssyncadd.s32 $0xFFFFF000  }
0x84: {  	_ =	swait.ge [sflag:s11], $0x8000  }
0x85: {  	[sflag:s11] =	ssyncset.done $0x0  }
0x86: {  	s23 =	rddreg [dreg:$0x5];
	[sflag:s11] =	ssyncadd.s32 $0xFFFF8000  }
0x87: {  	[tilespmem:s2], [sflag:$0x5] =	stream.linear.gather [hbm4b:s23+s4], $0x10, $0x38;
	v63 =	vld [tilespmem:$0x0]  }
0x88: {  	_ =	swait.ge [sflag:s12], $0x10  }
0x89: {  	[sflag:s12] =	ssyncset.done $0x0  }
0x8a: {  	[sflag:s12] =	ssyncadd.s32 $0xFFFFFFF0  }
0x8b: {  	v4 =	vld [tilespmem:$0x10000];
	_ =	sdelay $0x4  }
0x8c: {  	(v2sf) =	vpush v4, $0x0;
	_ =	sdelay $0xe  }
0x8d: {  	s24 =	spop (v2sf)  }
0x8e: {  	s21 =	scvt.f32.s32 s24;
	_ =	sdelay $0x1  }
0x8f: {  	p0 =	sgt.s32 s5, s21;
	s20 =	smov.u32 s21  }
0x90: {  	s20 =	smov.u32 @p0 s5  }
0x91: {  	s20 =	sand.u32 $0x7FFFFFF0, s20  }
0x92: {  	s20 =	smin.u32 s20, s30  }
0x93: {  	s20 =	ssub.s32 s29, s20  }
0x94: {  	p0 =	sle.s32 s29, s21;
	s20 =	sshra.s32 s20, $0x4  }
0x95: {  	p1 =	slt.s32 @!p0 s20, $0x1  }
0x96: {  	p0 =	por p0, p1  }
.Ltmp2:
0x97: {  	_ = 	snop;
	(pc) =	sbr.rel @p0 .LBB2_8-.Ltmp2, $1  }
0x98: {  	_ =	sdelay $0x3  }
0x99: {  	p0 =	sgt.s32 s21, s5;
	s22 =	smov.u32 s5  }
0x9a: {  	s23 =	sadd.s32 $0xFFFFFFFF, s21;
	s22 =	smov.u32 @p0 s21  }
0x9b: {  	p0 =	sgt.s32 s23, $0x0;
	s22 =	sand.u32 $0x7FFFFFF0, s22  }
0x9c: {  	s23 =	simm.s32 @!p0 $0x0;
	s21 =	smin.u32 s22, s30  }
0x9d: {  	v4 =	vmov s23;
	v5 =	vor.u32 s21, v0  }
0x9e: {  	vm1 =	vlt.s32 v5, v4  }
0x9f: {  	v5 =	vsel vm1, v5, v4  }
0xa0: {  	p1 =	sgt.s32 s20, $0x1;
	v6 =	vshll.u32 v5, $0x3  }
.Ltmp3:
0xa1: {  	v5 =	vand.u32 $0x7, v5;
	v6 =	vand.u32 $0xFFFFFFC0, v6;
	(pc) =	sbr.rel @!p1 .LBB2_3-.Ltmp3, $4  }
0xa2: {  	v5 =	vor.u32 v5, v6  }
0xa3: {  	v7 =	vperm.xlane v5, v1  }
0xa4: {  	s24 =	rddreg [dreg:$0x2];
	s23 =	sshll.u32 s21, $0x7  }
0xa5: {  	p0 =	por $0x0, $0x0;
	s23 =	sadd.s32 s23, s24;
	v6 =	vperm.xlane v5, v3;
	v5 =	vadd.s32 v2, v7  }
0xa6: {  	_ =	sdelay $0x3  }
0xa7: {  	[tilespmem:s2], [sflag:$0x1] =	stream.indirect_vreg.gather [hbm4b:s1+s4], $0x80, v5, vm0, $0xb8;
	v63 =	vld [tilespmem:$0x0]  }
0xa8: {  	_ = 	snop  }
0xa9: {  	[tilespmem:s13], [sflag:$0x1] =	stream.indirect_vreg.gather [hbm4b:s31+s4], $0x80, v5, vm0, $0xb8;
	v63 =	vld [tilespmem:$0x0]  }
0xaa: {  	v6 =	vadd.s32 v2, v6  }
0xab: {  	[tilespmem:s7], [sflag:$0x1] =	stream.indirect_vreg.gather [hbm4b:s0+s4], $0x80, v5, vm0, $0xb8;
	v63 =	vld [tilespmem:$0x0]  }
0xac: {  	_ = 	snop  }
0xad: {  	[tilespmem:s14], [sflag:$0x1] =	stream.indirect_vreg.gather [hbm4b:s3+s4], $0x80, v5, vm0, $0xb8;
	v63 =	vld [tilespmem:$0x0]  }
0xae: {  	_ = 	snop  }
0xaf: {  	[tilespmem:s15], [sflag:$0x1] =	stream.indirect_vreg.gather [hbm4b:s1+s4], $0x80, v6, vm0, $0xb8;
	v63 =	vld [tilespmem:$0x0]  }
0xb0: {  	s22 =	sadd.s32 $0x10, s21  }
0xb1: {  	[tilespmem:s16], [sflag:$0x1] =	stream.indirect_vreg.gather [hbm4b:s31+s4], $0x80, v6, vm0, $0xb8;
	v63 =	vld [tilespmem:$0x0]  }
0xb2: {  	v5 =	vor.u32 s22, v0  }
0xb3: {  	vm1 =	vlt.s32 v5, v4;
	[tilespmem:s17], [sflag:$0x1] =	stream.indirect_vreg.gather [hbm4b:s0+s4], $0x80, v6, vm0, $0xb8;
	v63 =	vld [tilespmem:$0x0]  }
0xb4: {  	v5 =	vsel vm1, v5, v4  }
0xb5: {  	[tilespmem:s18], [sflag:$0x1] =	stream.indirect_vreg.gather [hbm4b:s3+s4], $0x80, v6, vm0, $0xb8;
	v6 =	vshll.u32 v5, $0x3;
	v63 =	vld [tilespmem:$0x0]  }
0xb6: {  	v5 =	vand.u32 $0x7, v5;
	v6 =	vand.u32 $0xFFFFFFC0, v6  }
0xb7: {  	v5 =	vor.u32 v5, v6  }
0xb8: {  	p1 =	sgt.s32 s20, $0x2;
	_ =	swait.ge [sflag:s6], $0x4000;
	v7 =	vperm.xlane v5, v1  }
.Ltmp4:
0xb9: {  	[sflag:s6] =	ssyncset.done $0x0;
	(pc) =	sbr.rel @!p1 .LBB2_5-.Ltmp4, $4  }
0xba: {  	[sflag:s6] =	ssyncadd.s32 $0xFFFFC000;
	v6 =	vperm.xlane v5, v3;
	v5 =	vadd.s32 v2, v7  }
0xbb: {  	[hbm4b:s23+s4] =	stream.linear.scatter [tilespmem:s2], [sflag:$0x5], $0x4000, $0x38;
	v63 =	vld [tilespmem:$0x0]  }
0xbc: {  	s24 =	simm.s32 $0x2;
	_ =	swait.ge [sflag:s12], $0x4000  }
0xbd: {  	p0 =	por $0x1, $0x1;
	s21 =	smov.u32 s23;
	[sflag:s12] =	ssyncset.done $0x0  }
.LBB2_6:
0xbe: {  	s24 =	sadd.s32 $0x1, s24;
	[sflag:s12] =	ssyncadd.s32 $0xFFFFC000;
	s21 =	sadd.s32 $0x800, s21  }
0xbf: {  	[tilespmem:s2], [sflag:$0x1] =	stream.indirect_vreg.gather [hbm4b:s1+s4], $0x80, v5, vm0, $0xb8;
	v63 =	vld [tilespmem:$0x0]  }
0xc0: {  	p1 =	sgt.s32 s20, s24  }
0xc1: {  	[tilespmem:s13], [sflag:$0x1] =	stream.indirect_vreg.gather [hbm4b:s31+s4], $0x80, v5, vm0, $0xb8;
	v63 =	vld [tilespmem:$0x0]  }
0xc2: {  	v6 =	vadd.s32 v2, v6  }
0xc3: {  	[tilespmem:s7], [sflag:$0x1] =	stream.indirect_vreg.gather [hbm4b:s0+s4], $0x80, v5, vm0, $0xb8;
	v63 =	vld [tilespmem:$0x0]  }
0xc4: {  	_ = 	snop  }
0xc5: {  	[tilespmem:s14], [sflag:$0x1] =	stream.indirect_vreg.gather [hbm4b:s3+s4], $0x80, v5, vm0, $0xb8;
	v63 =	vld [tilespmem:$0x0]  }
0xc6: {  	s22 =	sadd.s32 $0x10, s22  }
0xc7: {  	[tilespmem:s15], [sflag:$0x1] =	stream.indirect_vreg.gather [hbm4b:s1+s4], $0x80, v6, vm0, $0xb8;
	v63 =	vld [tilespmem:$0x0]  }
0xc8: {  	v5 =	vor.u32 s22, v0  }
0xc9: {  	vm1 =	vlt.s32 v5, v4;
	[tilespmem:s16], [sflag:$0x1] =	stream.indirect_vreg.gather [hbm4b:s31+s4], $0x80, v6, vm0, $0xb8;
	v63 =	vld [tilespmem:$0x0]  }
0xca: {  	v5 =	vsel vm1, v5, v4  }
0xcb: {  	v7 =	vshll.u32 v5, $0x3;
	[tilespmem:s17], [sflag:$0x1] =	stream.indirect_vreg.gather [hbm4b:s0+s4], $0x80, v6, vm0, $0xb8;
	v63 =	vld [tilespmem:$0x0]  }
0xcc: {  	v5 =	vand.u32 $0x7, v5;
	v7 =	vand.u32 $0xFFFFFFC0, v7  }
0xcd: {  	v5 =	vor.u32 v5, v7;
	[tilespmem:s18], [sflag:$0x1] =	stream.indirect_vreg.gather [hbm4b:s3+s4], $0x80, v6, vm0, $0xb8;
	v63 =	vld [tilespmem:$0x0]  }
0xce: {  	v7 =	vperm.xlane v5, v1;
	v6 =	vperm.xlane v5, v3;
	_ =	swait.ge [sflag:s6], $0x4000  }
.Ltmp5:
0xcf: {  	[sflag:s6] =	ssyncset.done $0x0;
	(pc) =	sbr.rel @p1 .LBB2_6-.Ltmp5, $4  }
0xd0: {  	v5 =	vadd.s32 v2, v7;
	[sflag:s6] =	ssyncadd.s32 $0xFFFFC000  }
0xd1: {  	[hbm4b:s21+s4] =	stream.linear.scatter [tilespmem:s2], [sflag:$0x5], $0x4000, $0x38;
	v63 =	vld [tilespmem:$0x0]  }
0xd2: {  	_ =	swait.ge [sflag:s12], $0x4000  }
0xd3: {  	[sflag:s12] =	ssyncset.done $0x0  }
.Ltmp6:
0xd4: {  	_ = 	snop;
	(pc) =	sbr.rel .LBB2_7-.Ltmp6, $1  }
0xd5: {  	_ =	sdelay $0x3  }
.LBB2_5:
.Ltmp7:
0xd6: {  	(pc) =	sbr.rel .LBB2_7-.Ltmp7, $2  }
0xd7: {  	_ =	sdelay $0x2  }
0xd8: {  	s21 =	smov.u32 s23  }
.LBB2_9:
0xd9: {  	_ =	sfence.sel $0x180000  }
0xda: {  	[bflag:$0x0] =	sbarrier.arrive $0xFFFF  }
0xdb: {  	_ =	strace $0x90000047  }
0xdc: {  	s0 =	stileid.u32;
	[bflag:$0x2] =	sbarrier.arrive $0xFFFF  }
0xdd: {  	p0 =	sne.s32 s0, $0x0;
	s0 =	rddreg [dreg:$0x4]  }
0xde: {  	s0 =	sadd.s32 @!p0 $0x100000, s0  }
0xdf: {  	[sflag:s0] =	ssyncadd.tile.s32 @!p0 $0x1;
	_ =	shalt  }
.Lfunc_end2:
_tile_overlayer_lowered:
.L_overlay_start_2:
0xe0: {  	(tag) =	ssettag $0x2  }
0xe1: {  	s0 =	rddreg [dreg:$0x0];
	s2 =	stileid.u32  }
0xe2: {  	s1 =	rddreg [dreg:$0x1];
	p0 =	sne.s32 s2, $0x0  }
0xe3: {  	s3 =	rddreg [dreg:$0x2];
	[bflag:$0x3] =	sbarrier.arrive $0xFFFF;
	s2 =	simm.s32 @!p0 $0x1C05  }
0xe4: {  	[timem:s3], [sflag:s2] =	dma.local @!p0 [hbm:s0], s1  }
0xe5: {  	s0 =	simm.s32 @!p0 $0x5  }
0xe6: {  	_ =	swait.ge @!p0 [sflag:s0], s1  }
0xe7: {  	s1 =	ssub.s32 @!p0 $0x0, s1;
	[sflag:s0] =	ssyncset.done @!p0 $0x0  }
0xe8: {  	[sflag:s0] =	ssyncadd.s32 @!p0 s1  }
0xe9: {  	[bflag:$0x3] =	sbarrier.arrive $0xFFFF  }
0xea: {  	_ =	shalt  }

</sc_bundles>
